<compile_context>
chip_gen: v7x
topology: tpu7x:2x2x1
jax: 0.10.2.dev20260603
libtpu: 0.0.44.dev20260713+nightly
codegen_flags: <defaults>
</compile_context>

<pallas_src>
import functools
import math

import jax
import jax.numpy as jnp
from jax import lax
from jax.experimental import pallas as pl
from jax.experimental.pallas import tpu as pltpu
from jax.experimental.pallas import tpu_sc as plsc

_B, _S, _D = 16, 4096, 1024
_TARGET = 512
_DIFF = _S % _TARGET
_STEP = math.ceil((_S - _DIFF) / _TARGET)
_OFF = _DIFF // 2

_R = _B * _TARGET
_NW = 32
_RPW = _R // _NW
_CMAX = 56
_CHS = [16, 56, 56, 56, 56, 16]
assert sum(_CHS) == _RPW and all(c <= _CMAX and c % 8 == 0 for c in _CHS)
_OFFS = [sum(_CHS[:i]) for i in range(len(_CHS))]
_NCHUNK = len(_CHS)
_NBUF = 2

_mesh = plsc.VectorSubcoreMesh(core_axis_name="c", subcore_axis_name="s")


@functools.partial(
    pl.kernel,
    mesh=_mesh,
    out_type=jax.ShapeDtypeStruct((_R, _D), jnp.float32),
    scratch_types=[
        pltpu.VMEM((_RPW,), jnp.int32),
        pltpu.VMEM((_CMAX, _D), jnp.float32),
        pltpu.VMEM((_CMAX, _D), jnp.float32),
        pltpu.SemaphoreType.DMA,
        pltpu.SemaphoreType.DMA,
        pltpu.SemaphoreType.DMA,
        pltpu.SemaphoreType.DMA,
    ],
)
def _downsample(x_hbm, out_hbm, idx_v, rows0, rows1,
                gsem0, gsem1, ssem0, ssem1):
    wid = lax.axis_index("s") * 2 + lax.axis_index("c")
    base = wid * _RPW
    lane = lax.iota(jnp.int32, 16)

    def build_idx(j):
        idx_v[pl.ds(j * 16, 16)] = (lane + (base + j * 16)) * _STEP + _OFF

    bufs = (rows0, rows1)
    gsems = (gsem0, gsem1)
    ssems = (ssem0, ssem1)

    def gather(g):
        n = _CHS[g]
        return pltpu.async_copy(
            x_hbm.at[idx_v.at[pl.ds(_OFFS[g], n)]],
            bufs[g % _NBUF].at[pl.ds(0, n)], gsems[g % _NBUF])

    def scatter(g):
        n = _CHS[g]
        return pltpu.async_copy(
            bufs[g % _NBUF].at[pl.ds(0, n)],
            out_hbm.at[pl.ds(base + _OFFS[g], n)], ssems[g % _NBUF])

    gathers = [None] * _NCHUNK
    scatters = [None] * _NCHUNK
    build_idx(0)
    for g in range(_NBUF - 1):
        gathers[g] = gather(g)
    for j in range(1, _RPW // 16):
        build_idx(j)
    for g in range(_NCHUNK):
        nxt = g + _NBUF - 1
        if nxt < _NCHUNK:
            if nxt >= _NBUF:
                scatters[nxt - _NBUF].wait()
            gathers[nxt] = gather(nxt)
        gathers[g].wait()
        scatters[g] = scatter(g)
    for g in range(_NCHUNK - _NBUF, _NCHUNK):
        scatters[g].wait()


def kernel(x):
    xf = x.reshape(_B * _S, _D)
    out = _downsample(xf)
    return out.reshape(_B, _TARGET, _D)

# --- scband reference (transcript-rebuilt; emitter-appended) ---
"""Pipeline reference for scband-down-size-sample-22016002359758 (READ-ONLY COPY).

The authoritative reference and input builder live on the scoring server;
editing this copy changes nothing except your own understanding.
"""

import jax, jax.numpy as jnp
import numpy as np
import math

START_LENGTH = 4096
TARGET_LENGTH = 512
DOWNSIZE_DIM = 1

def setup_inputs(seed: int = 0) -> dict:
    key = jax.random.key(seed)
    x = jax.random.normal(key, (16, 4096, 1024), dtype=jnp.float32)
    return {"x": x}

def reference(x):
    difference = START_LENGTH % TARGET_LENGTH
    max_sample = START_LENGTH - difference
    step_size = math.ceil(max_sample / TARGET_LENGTH)
    indices = jnp.arange(0, max_sample, step_size, dtype=jnp.int32) + difference // 2
    return jnp.take(x, indices, axis=DOWNSIZE_DIM)

if __name__ == "__main__":
    import jax
    _d = setup_inputs()
    print(jax.jit(kernel)(*tuple(_d.values())))

</pallas_src>

<mosaic_0001>
#map = affine_map<(d0, d1) -> (0, 0)>
module attributes {stable_mosaic.version = 14 : i64} {
  func.func @_downsample(%arg0: i32, %arg1: i32, %arg2: memref<65536x1024xf32, #tpu.memory_space<hbm>>, %arg3: memref<8192x1024xf32, #tpu.memory_space<hbm>>, %arg4: memref<256xi32, #tpu.memory_space<vmem>>, %arg5: memref<56x1024xf32, #tpu.memory_space<vmem>>, %arg6: memref<56x1024xf32, #tpu.memory_space<vmem>>, %arg7: memref<!tpu.dma_semaphore, #tpu.memory_space<semaphore_mem>>, %arg8: memref<!tpu.dma_semaphore, #tpu.memory_space<semaphore_mem>>, %arg9: memref<!tpu.dma_semaphore, #tpu.memory_space<semaphore_mem>>, %arg10: memref<!tpu.dma_semaphore, #tpu.memory_space<semaphore_mem>>) attributes {dimension_semantics = [#tpu.dimension_semantics<core_parallel>, #tpu.dimension_semantics<subcore_parallel>], iteration_bounds = array<i64: 2, 16>, scalar_prefetch = 0 : i64, scratch_operands = 7 : i64, tpu.core_type = #tpu.core_type<sc_vector_subcore>, window_params = [{transform_indices = #map}, {transform_indices = #map}]} {
    %mul3A = arith.constant 2 : i32
    %mul3A_0 = arith.muli %arg1, %mul3A : i32
    %add3A = arith.addi %mul3A_0, %arg0 : i32
    %mul3A_1 = arith.constant 256 : i32
    %mul3A_2 = arith.muli %add3A, %mul3A_1 : i32
    %iota3A = tpu.iota {dimensions = array<i32: 0>} : vector<16xi32>
    %add3A_3 = arith.constant 0 : i32
    %add3A_4 = arith.addi %mul3A_2, %add3A_3 : i32
    %add3A_5 = vector.broadcast %add3A_4 : i32 to vector<16xi32>
    %add3A_6 = arith.addi %iota3A, %add3A_5 : vector<16xi32>
    %mul3A_7 = arith.constant 8 : i32
    %mul3A_8 = vector.broadcast %mul3A_7 : i32 to vector<16xi32>
    %mul3A_9 = arith.muli %add3A_6, %mul3A_8 : vector<16xi32>
    %add3A_10 = arith.constant 0 : i32
    %add3A_11 = vector.broadcast %add3A_10 : i32 to vector<16xi32>
    %add3A_12 = arith.addi %mul3A_9, %add3A_11 : vector<16xi32>
    %swap3A = arith.constant 0 : index
    %swap3A_13 = tpu.vector_load %arg4[%swap3A] {strides = array<i32>} : memref<256xi32, #tpu.memory_space<vmem>>, vector<16xi32>,
    %swap3A_14 = vector.shape_cast %swap3A_13 : vector<16xi32> to vector<16xi32>
    %swap3A_15 = vector.shape_cast %add3A_12 : vector<16xi32> to vector<16xi32>
    tpu.vector_store %arg4[%swap3A], %swap3A_15 {strides = array<i32>} : memref<256xi32, #tpu.memory_space<vmem>>, vector<16xi32>,
    %dma_start3A = arith.constant 0 : i32
    %dma_start3A_16 = arith.constant 0 : i32
    %dma_start3A_17 = tpu.memref_slice %arg5[%dma_start3A, %dma_start3A_16] : memref<56x1024xf32, #tpu.memory_space<vmem>> -> memref<16x1024xf32, #tpu.memory_space<vmem>>
    %dma_start3A_18 = arith.constant 0 : i32
    %dma_start3A_19 = tpu.memref_slice %arg4[%dma_start3A_18] : memref<256xi32, #tpu.memory_space<vmem>> -> memref<16xi32, #tpu.memory_space<vmem>>
    %dma_start3A_20 = arith.constant 0 : i32
    %dma_start3A_21 = arith.constant 0 : i32
    %dma_start3A_22 = tpu.memref_slice %arg2[%dma_start3A_20, %dma_start3A_21] : memref<65536x1024xf32, #tpu.memory_space<hbm>> -> memref<65536x1024xf32, #tpu.memory_space<hbm>>
    tpu.enqueue_indirect_dma source(%dma_start3A_22 : memref<65536x1024xf32, #tpu.memory_space<hbm>>) target(%dma_start3A_17 : memref<16x1024xf32, #tpu.memory_space<vmem>>) offsets(%dma_start3A_19 : memref<16xi32, #tpu.memory_space<vmem>>) semaphore(%arg7 : memref<!tpu.dma_semaphore, #tpu.memory_space<semaphore_mem>>)
    %add3A_23 = arith.constant 16 : i32
    %add3A_24 = arith.addi %mul3A_2, %add3A_23 : i32
    %add3A_25 = vector.broadcast %add3A_24 : i32 to vector<16xi32>
    %add3A_26 = arith.addi %iota3A, %add3A_25 : vector<16xi32>
    %mul3A_27 = arith.constant 8 : i32
    %mul3A_28 = vector.broadcast %mul3A_27 : i32 to vector<16xi32>
    %mul3A_29 = arith.muli %add3A_26, %mul3A_28 : vector<16xi32>
    %add3A_30 = arith.constant 0 : i32
    %add3A_31 = vector.broadcast %add3A_30 : i32 to vector<16xi32>
    %add3A_32 = arith.addi %mul3A_29, %add3A_31 : vector<16xi32>
    %swap3A_33 = arith.constant 16 : index
    %swap3A_34 = tpu.vector_load %arg4[%swap3A_33] {strides = array<i32>} : memref<256xi32, #tpu.memory_space<vmem>>, vector<16xi32>,
    %swap3A_35 = vector.shape_cast %swap3A_34 : vector<16xi32> to vector<16xi32>
    %swap3A_36 = vector.shape_cast %add3A_32 : vector<16xi32> to vector<16xi32>
    tpu.vector_store %arg4[%swap3A_33], %swap3A_36 {strides = array<i32>} : memref<256xi32, #tpu.memory_space<vmem>>, vector<16xi32>,
    %add3A_37 = arith.constant 32 : i32
    %add3A_38 = arith.addi %mul3A_2, %add3A_37 : i32
    %add3A_39 = vector.broadcast %add3A_38 : i32 to vector<16xi32>
    %add3A_40 = arith.addi %iota3A, %add3A_39 : vector<16xi32>
    %mul3A_41 = arith.constant 8 : i32
    %mul3A_42 = vector.broadcast %mul3A_41 : i32 to vector<16xi32>
    %mul3A_43 = arith.muli %add3A_40, %mul3A_42 : vector<16xi32>
    %add3A_44 = arith.constant 0 : i32
    %add3A_45 = vector.broadcast %add3A_44 : i32 to vector<16xi32>
    %add3A_46 = arith.addi %mul3A_43, %add3A_45 : vector<16xi32>
    %swap3A_47 = arith.constant 32 : index
    %swap3A_48 = tpu.vector_load %arg4[%swap3A_47] {strides = array<i32>} : memref<256xi32, #tpu.memory_space<vmem>>, vector<16xi32>,
    %swap3A_49 = vector.shape_cast %swap3A_48 : vector<16xi32> to vector<16xi32>
    %swap3A_50 = vector.shape_cast %add3A_46 : vector<16xi32> to vector<16xi32>
    tpu.vector_store %arg4[%swap3A_47], %swap3A_50 {strides = array<i32>} : memref<256xi32, #tpu.memory_space<vmem>>, vector<16xi32>,
    %add3A_51 = arith.constant 48 : i32
    %add3A_52 = arith.addi %mul3A_2, %add3A_51 : i32
    %add3A_53 = vector.broadcast %add3A_52 : i32 to vector<16xi32>
    %add3A_54 = arith.addi %iota3A, %add3A_53 : vector<16xi32>
    %mul3A_55 = arith.constant 8 : i32
    %mul3A_56 = vector.broadcast %mul3A_55 : i32 to vector<16xi32>
    %mul3A_57 = arith.muli %add3A_54, %mul3A_56 : vector<16xi32>
    %add3A_58 = arith.constant 0 : i32
    %add3A_59 = vector.broadcast %add3A_58 : i32 to vector<16xi32>
    %add3A_60 = arith.addi %mul3A_57, %add3A_59 : vector<16xi32>
    %swap3A_61 = arith.constant 48 : index
    %swap3A_62 = tpu.vector_load %arg4[%swap3A_61] {strides = array<i32>} : memref<256xi32, #tpu.memory_space<vmem>>, vector<16xi32>,
    %swap3A_63 = vector.shape_cast %swap3A_62 : vector<16xi32> to vector<16xi32>
    %swap3A_64 = vector.shape_cast %add3A_60 : vector<16xi32> to vector<16xi32>
    tpu.vector_store %arg4[%swap3A_61], %swap3A_64 {strides = array<i32>} : memref<256xi32, #tpu.memory_space<vmem>>, vector<16xi32>,
    %add3A_65 = arith.constant 64 : i32
    %add3A_66 = arith.addi %mul3A_2, %add3A_65 : i32
    %add3A_67 = vector.broadcast %add3A_66 : i32 to vector<16xi32>
    %add3A_68 = arith.addi %iota3A, %add3A_67 : vector<16xi32>
    %mul3A_69 = arith.constant 8 : i32
    %mul3A_70 = vector.broadcast %mul3A_69 : i32 to vector<16xi32>
    %mul3A_71 = arith.muli %add3A_68, %mul3A_70 : vector<16xi32>
    %add3A_72 = arith.constant 0 : i32
    %add3A_73 = vector.broadcast %add3A_72 : i32 to vector<16xi32>
    %add3A_74 = arith.addi %mul3A_71, %add3A_73 : vector<16xi32>
    %swap3A_75 = arith.constant 64 : index
    %swap3A_76 = tpu.vector_load %arg4[%swap3A_75] {strides = array<i32>} : memref<256xi32, #tpu.memory_space<vmem>>, vector<16xi32>,
    %swap3A_77 = vector.shape_cast %swap3A_76 : vector<16xi32> to vector<16xi32>
    %swap3A_78 = vector.shape_cast %add3A_74 : vector<16xi32> to vector<16xi32>
    tpu.vector_store %arg4[%swap3A_75], %swap3A_78 {strides = array<i32>} : memref<256xi32, #tpu.memory_space<vmem>>, vector<16xi32>,
    %add3A_79 = arith.constant 80 : i32
    %add3A_80 = arith.addi %mul3A_2, %add3A_79 : i32
    %add3A_81 = vector.broadcast %add3A_80 : i32 to vector<16xi32>
    %add3A_82 = arith.addi %iota3A, %add3A_81 : vector<16xi32>
    %mul3A_83 = arith.constant 8 : i32
    %mul3A_84 = vector.broadcast %mul3A_83 : i32 to vector<16xi32>
    %mul3A_85 = arith.muli %add3A_82, %mul3A_84 : vector<16xi32>
    %add3A_86 = arith.constant 0 : i32
    %add3A_87 = vector.broadcast %add3A_86 : i32 to vector<16xi32>
    %add3A_88 = arith.addi %mul3A_85, %add3A_87 : vector<16xi32>
    %swap3A_89 = arith.constant 80 : index
    %swap3A_90 = tpu.vector_load %arg4[%swap3A_89] {strides = array<i32>} : memref<256xi32, #tpu.memory_space<vmem>>, vector<16xi32>,
    %swap3A_91 = vector.shape_cast %swap3A_90 : vector<16xi32> to vector<16xi32>
    %swap3A_92 = vector.shape_cast %add3A_88 : vector<16xi32> to vector<16xi32>
    tpu.vector_store %arg4[%swap3A_89], %swap3A_92 {strides = array<i32>} : memref<256xi32, #tpu.memory_space<vmem>>, vector<16xi32>,
    %add3A_93 = arith.constant 96 : i32
    %add3A_94 = arith.addi %mul3A_2, %add3A_93 : i32
    %add3A_95 = vector.broadcast %add3A_94 : i32 to vector<16xi32>
    %add3A_96 = arith.addi %iota3A, %add3A_95 : vector<16xi32>
    %mul3A_97 = arith.constant 8 : i32
    %mul3A_98 = vector.broadcast %mul3A_97 : i32 to vector<16xi32>
    %mul3A_99 = arith.muli %add3A_96, %mul3A_98 : vector<16xi32>
    %add3A_100 = arith.constant 0 : i32
    %add3A_101 = vector.broadcast %add3A_100 : i32 to vector<16xi32>
    %add3A_102 = arith.addi %mul3A_99, %add3A_101 : vector<16xi32>
    %swap3A_103 = arith.constant 96 : index
    %swap3A_104 = tpu.vector_load %arg4[%swap3A_103] {strides = array<i32>} : memref<256xi32, #tpu.memory_space<vmem>>, vector<16xi32>,
    %swap3A_105 = vector.shape_cast %swap3A_104 : vector<16xi32> to vector<16xi32>
    %swap3A_106 = vector.shape_cast %add3A_102 : vector<16xi32> to vector<16xi32>
    tpu.vector_store %arg4[%swap3A_103], %swap3A_106 {strides = array<i32>} : memref<256xi32, #tpu.memory_space<vmem>>, vector<16xi32>,
    %add3A_107 = arith.constant 112 : i32
    %add3A_108 = arith.addi %mul3A_2, %add3A_107 : i32
    %add3A_109 = vector.broadcast %add3A_108 : i32 to vector<16xi32>
    %add3A_110 = arith.addi %iota3A, %add3A_109 : vector<16xi32>
    %mul3A_111 = arith.constant 8 : i32
    %mul3A_112 = vector.broadcast %mul3A_111 : i32 to vector<16xi32>
    %mul3A_113 = arith.muli %add3A_110, %mul3A_112 : vector<16xi32>
    %add3A_114 = arith.constant 0 : i32
    %add3A_115 = vector.broadcast %add3A_114 : i32 to vector<16xi32>
    %add3A_116 = arith.addi %mul3A_113, %add3A_115 : vector<16xi32>
    %swap3A_117 = arith.constant 112 : index
    %swap3A_118 = tpu.vector_load %arg4[%swap3A_117] {strides = array<i32>} : memref<256xi32, #tpu.memory_space<vmem>>, vector<16xi32>,
    %swap3A_119 = vector.shape_cast %swap3A_118 : vector<16xi32> to vector<16xi32>
    %swap3A_120 = vector.shape_cast %add3A_116 : vector<16xi32> to vector<16xi32>
    tpu.vector_store %arg4[%swap3A_117], %swap3A_120 {strides = array<i32>} : memref<256xi32, #tpu.memory_space<vmem>>, vector<16xi32>,
    %add3A_121 = arith.constant 128 : i32
    %add3A_122 = arith.addi %mul3A_2, %add3A_121 : i32
    %add3A_123 = vector.broadcast %add3A_122 : i32 to vector<16xi32>
    %add3A_124 = arith.addi %iota3A, %add3A_123 : vector<16xi32>
    %mul3A_125 = arith.constant 8 : i32
    %mul3A_126 = vector.broadcast %mul3A_125 : i32 to vector<16xi32>
    %mul3A_127 = arith.muli %add3A_124, %mul3A_126 : vector<16xi32>
    %add3A_128 = arith.constant 0 : i32
    %add3A_129 = vector.broadcast %add3A_128 : i32 to vector<16xi32>
    %add3A_130 = arith.addi %mul3A_127, %add3A_129 : vector<16xi32>
    %swap3A_131 = arith.constant 128 : index
    %swap3A_132 = tpu.vector_load %arg4[%swap3A_131] {strides = array<i32>} : memref<256xi32, #tpu.memory_space<vmem>>, vector<16xi32>,
    %swap3A_133 = vector.shape_cast %swap3A_132 : vector<16xi32> to vector<16xi32>
    %swap3A_134 = vector.shape_cast %add3A_130 : vector<16xi32> to vector<16xi32>
    tpu.vector_store %arg4[%swap3A_131], %swap3A_134 {strides = array<i32>} : memref<256xi32, #tpu.memory_space<vmem>>, vector<16xi32>,
    %add3A_135 = arith.constant 144 : i32
    %add3A_136 = arith.addi %mul3A_2, %add3A_135 : i32
    %add3A_137 = vector.broadcast %add3A_136 : i32 to vector<16xi32>
    %add3A_138 = arith.addi %iota3A, %add3A_137 : vector<16xi32>
    %mul3A_139 = arith.constant 8 : i32
    %mul3A_140 = vector.broadcast %mul3A_139 : i32 to vector<16xi32>
    %mul3A_141 = arith.muli %add3A_138, %mul3A_140 : vector<16xi32>
    %add3A_142 = arith.constant 0 : i32
    %add3A_143 = vector.broadcast %add3A_142 : i32 to vector<16xi32>
    %add3A_144 = arith.addi %mul3A_141, %add3A_143 : vector<16xi32>
    %swap3A_145 = arith.constant 144 : index
    %swap3A_146 = tpu.vector_load %arg4[%swap3A_145] {strides = array<i32>} : memref<256xi32, #tpu.memory_space<vmem>>, vector<16xi32>,
    %swap3A_147 = vector.shape_cast %swap3A_146 : vector<16xi32> to vector<16xi32>
    %swap3A_148 = vector.shape_cast %add3A_144 : vector<16xi32> to vector<16xi32>
    tpu.vector_store %arg4[%swap3A_145], %swap3A_148 {strides = array<i32>} : memref<256xi32, #tpu.memory_space<vmem>>, vector<16xi32>,
    %add3A_149 = arith.constant 160 : i32
    %add3A_150 = arith.addi %mul3A_2, %add3A_149 : i32
    %add3A_151 = vector.broadcast %add3A_150 : i32 to vector<16xi32>
    %add3A_152 = arith.addi %iota3A, %add3A_151 : vector<16xi32>
    %mul3A_153 = arith.constant 8 : i32
    %mul3A_154 = vector.broadcast %mul3A_153 : i32 to vector<16xi32>
    %mul3A_155 = arith.muli %add3A_152, %mul3A_154 : vector<16xi32>
    %add3A_156 = arith.constant 0 : i32
    %add3A_157 = vector.broadcast %add3A_156 : i32 to vector<16xi32>
    %add3A_158 = arith.addi %mul3A_155, %add3A_157 : vector<16xi32>
    %swap3A_159 = arith.constant 160 : index
    %swap3A_160 = tpu.vector_load %arg4[%swap3A_159] {strides = array<i32>} : memref<256xi32, #tpu.memory_space<vmem>>, vector<16xi32>,
    %swap3A_161 = vector.shape_cast %swap3A_160 : vector<16xi32> to vector<16xi32>
    %swap3A_162 = vector.shape_cast %add3A_158 : vector<16xi32> to vector<16xi32>
    tpu.vector_store %arg4[%swap3A_159], %swap3A_162 {strides = array<i32>} : memref<256xi32, #tpu.memory_space<vmem>>, vector<16xi32>,
    %add3A_163 = arith.constant 176 : i32
    %add3A_164 = arith.addi %mul3A_2, %add3A_163 : i32
    %add3A_165 = vector.broadcast %add3A_164 : i32 to vector<16xi32>
    %add3A_166 = arith.addi %iota3A, %add3A_165 : vector<16xi32>
    %mul3A_167 = arith.constant 8 : i32
    %mul3A_168 = vector.broadcast %mul3A_167 : i32 to vector<16xi32>
    %mul3A_169 = arith.muli %add3A_166, %mul3A_168 : vector<16xi32>
    %add3A_170 = arith.constant 0 : i32
    %add3A_171 = vector.broadcast %add3A_170 : i32 to vector<16xi32>
    %add3A_172 = arith.addi %mul3A_169, %add3A_171 : vector<16xi32>
    %swap3A_173 = arith.constant 176 : index
    %swap3A_174 = tpu.vector_load %arg4[%swap3A_173] {strides = array<i32>} : memref<256xi32, #tpu.memory_space<vmem>>, vector<16xi32>,
    %swap3A_175 = vector.shape_cast %swap3A_174 : vector<16xi32> to vector<16xi32>
    %swap3A_176 = vector.shape_cast %add3A_172 : vector<16xi32> to vector<16xi32>
    tpu.vector_store %arg4[%swap3A_173], %swap3A_176 {strides = array<i32>} : memref<256xi32, #tpu.memory_space<vmem>>, vector<16xi32>,
    %add3A_177 = arith.constant 192 : i32
    %add3A_178 = arith.addi %mul3A_2, %add3A_177 : i32
    %add3A_179 = vector.broadcast %add3A_178 : i32 to vector<16xi32>
    %add3A_180 = arith.addi %iota3A, %add3A_179 : vector<16xi32>
    %mul3A_181 = arith.constant 8 : i32
    %mul3A_182 = vector.broadcast %mul3A_181 : i32 to vector<16xi32>
    %mul3A_183 = arith.muli %add3A_180, %mul3A_182 : vector<16xi32>
    %add3A_184 = arith.constant 0 : i32
    %add3A_185 = vector.broadcast %add3A_184 : i32 to vector<16xi32>
    %add3A_186 = arith.addi %mul3A_183, %add3A_185 : vector<16xi32>
    %swap3A_187 = arith.constant 192 : index
    %swap3A_188 = tpu.vector_load %arg4[%swap3A_187] {strides = array<i32>} : memref<256xi32, #tpu.memory_space<vmem>>, vector<16xi32>,
    %swap3A_189 = vector.shape_cast %swap3A_188 : vector<16xi32> to vector<16xi32>
    %swap3A_190 = vector.shape_cast %add3A_186 : vector<16xi32> to vector<16xi32>
    tpu.vector_store %arg4[%swap3A_187], %swap3A_190 {strides = array<i32>} : memref<256xi32, #tpu.memory_space<vmem>>, vector<16xi32>,
    %add3A_191 = arith.constant 208 : i32
    %add3A_192 = arith.addi %mul3A_2, %add3A_191 : i32
    %add3A_193 = vector.broadcast %add3A_192 : i32 to vector<16xi32>
    %add3A_194 = arith.addi %iota3A, %add3A_193 : vector<16xi32>
    %mul3A_195 = arith.constant 8 : i32
    %mul3A_196 = vector.broadcast %mul3A_195 : i32 to vector<16xi32>
    %mul3A_197 = arith.muli %add3A_194, %mul3A_196 : vector<16xi32>
    %add3A_198 = arith.constant 0 : i32
    %add3A_199 = vector.broadcast %add3A_198 : i32 to vector<16xi32>
    %add3A_200 = arith.addi %mul3A_197, %add3A_199 : vector<16xi32>
    %swap3A_201 = arith.constant 208 : index
    %swap3A_202 = tpu.vector_load %arg4[%swap3A_201] {strides = array<i32>} : memref<256xi32, #tpu.memory_space<vmem>>, vector<16xi32>,
    %swap3A_203 = vector.shape_cast %swap3A_202 : vector<16xi32> to vector<16xi32>
    %swap3A_204 = vector.shape_cast %add3A_200 : vector<16xi32> to vector<16xi32>
    tpu.vector_store %arg4[%swap3A_201], %swap3A_204 {strides = array<i32>} : memref<256xi32, #tpu.memory_space<vmem>>, vector<16xi32>,
    %add3A_205 = arith.constant 224 : i32
    %add3A_206 = arith.addi %mul3A_2, %add3A_205 : i32
    %add3A_207 = vector.broadcast %add3A_206 : i32 to vector<16xi32>
    %add3A_208 = arith.addi %iota3A, %add3A_207 : vector<16xi32>
    %mul3A_209 = arith.constant 8 : i32
    %mul3A_210 = vector.broadcast %mul3A_209 : i32 to vector<16xi32>
    %mul3A_211 = arith.muli %add3A_208, %mul3A_210 : vector<16xi32>
    %add3A_212 = arith.constant 0 : i32
    %add3A_213 = vector.broadcast %add3A_212 : i32 to vector<16xi32>
    %add3A_214 = arith.addi %mul3A_211, %add3A_213 : vector<16xi32>
    %swap3A_215 = arith.constant 224 : index
    %swap3A_216 = tpu.vector_load %arg4[%swap3A_215] {strides = array<i32>} : memref<256xi32, #tpu.memory_space<vmem>>, vector<16xi32>,
    %swap3A_217 = vector.shape_cast %swap3A_216 : vector<16xi32> to vector<16xi32>
    %swap3A_218 = vector.shape_cast %add3A_214 : vector<16xi32> to vector<16xi32>
    tpu.vector_store %arg4[%swap3A_215], %swap3A_218 {strides = array<i32>} : memref<256xi32, #tpu.memory_space<vmem>>, vector<16xi32>,
    %add3A_219 = arith.constant 240 : i32
    %add3A_220 = arith.addi %mul3A_2, %add3A_219 : i32
    %add3A_221 = vector.broadcast %add3A_220 : i32 to vector<16xi32>
    %add3A_222 = arith.addi %iota3A, %add3A_221 : vector<16xi32>
    %mul3A_223 = arith.constant 8 : i32
    %mul3A_224 = vector.broadcast %mul3A_223 : i32 to vector<16xi32>
    %mul3A_225 = arith.muli %add3A_222, %mul3A_224 : vector<16xi32>
    %add3A_226 = arith.constant 0 : i32
    %add3A_227 = vector.broadcast %add3A_226 : i32 to vector<16xi32>
    %add3A_228 = arith.addi %mul3A_225, %add3A_227 : vector<16xi32>
    %swap3A_229 = arith.constant 240 : index
    %swap3A_230 = tpu.vector_load %arg4[%swap3A_229] {strides = array<i32>} : memref<256xi32, #tpu.memory_space<vmem>>, vector<16xi32>,
    %swap3A_231 = vector.shape_cast %swap3A_230 : vector<16xi32> to vector<16xi32>
    %swap3A_232 = vector.shape_cast %add3A_228 : vector<16xi32> to vector<16xi32>
    tpu.vector_store %arg4[%swap3A_229], %swap3A_232 {strides = array<i32>} : memref<256xi32, #tpu.memory_space<vmem>>, vector<16xi32>,
    %dma_start3A_233 = arith.constant 0 : i32
    %dma_start3A_234 = arith.constant 0 : i32
    %dma_start3A_235 = tpu.memref_slice %arg6[%dma_start3A_233, %dma_start3A_234] : memref<56x1024xf32, #tpu.memory_space<vmem>> -> memref<56x1024xf32, #tpu.memory_space<vmem>>
    %dma_start3A_236 = arith.constant 16 : i32
    %dma_start3A_237 = tpu.memref_slice %arg4[%dma_start3A_236] : memref<256xi32, #tpu.memory_space<vmem>> -> memref<56xi32, #tpu.memory_space<vmem>>
    %dma_start3A_238 = arith.constant 0 : i32
    %dma_start3A_239 = arith.constant 0 : i32
    %dma_start3A_240 = tpu.memref_slice %arg2[%dma_start3A_238, %dma_start3A_239] : memref<65536x1024xf32, #tpu.memory_space<hbm>> -> memref<65536x1024xf32, #tpu.memory_space<hbm>>
    tpu.enqueue_indirect_dma source(%dma_start3A_240 : memref<65536x1024xf32, #tpu.memory_space<hbm>>) target(%dma_start3A_235 : memref<56x1024xf32, #tpu.memory_space<vmem>>) offsets(%dma_start3A_237 : memref<56xi32, #tpu.memory_space<vmem>>) semaphore(%arg8 : memref<!tpu.dma_semaphore, #tpu.memory_space<semaphore_mem>>)
    %dma_wait3A = arith.constant 0 : i32
    %dma_wait3A_241 = arith.constant 0 : i32
    %dma_wait3A_242 = tpu.memref_slice %arg5[%dma_wait3A, %dma_wait3A_241] : memref<56x1024xf32, #tpu.memory_space<vmem>> -> memref<16x1024xf32, #tpu.memory_space<vmem>>
    %dma_wait3A_243 = arith.constant 0 : i32
    %dma_wait3A_244 = tpu.memref_slice %arg4[%dma_wait3A_243] : memref<256xi32, #tpu.memory_space<vmem>> -> memref<16xi32, #tpu.memory_space<vmem>>
    %dma_wait3A_245 = arith.constant 0 : i32
    %dma_wait3A_246 = arith.constant 0 : i32
    %dma_wait3A_247 = tpu.memref_slice %arg2[%dma_wait3A_245, %dma_wait3A_246] : memref<65536x1024xf32, #tpu.memory_space<hbm>> -> memref<65536x1024xf32, #tpu.memory_space<hbm>>
    tpu.wait_indirect_dma semaphore(%arg7 : memref<!tpu.dma_semaphore, #tpu.memory_space<semaphore_mem>>) src(%dma_wait3A_247 : memref<65536x1024xf32, #tpu.memory_space<hbm>>) dst(%dma_wait3A_242 : memref<16x1024xf32, #tpu.memory_space<vmem>>)
    %add3A_248 = arith.constant 0 : i32
    %add3A_249 = arith.addi %mul3A_2, %add3A_248 : i32
    %dma_start3A_250 = arith.constant 0 : i32
    %dma_start3A_251 = arith.constant 0 : i32
    %dma_start3A_252 = tpu.memref_slice %arg5[%dma_start3A_250, %dma_start3A_251] : memref<56x1024xf32, #tpu.memory_space<vmem>> -> memref<16x1024xf32, #tpu.memory_space<vmem>>
    %dma_start3A_253 = arith.constant 0 : i32
    %dma_start3A_254 = tpu.memref_slice %arg3[%add3A_249, %dma_start3A_253] : memref<8192x1024xf32, #tpu.memory_space<hbm>> -> memref<16x1024xf32, #tpu.memory_space<hbm>>
    %dma_start3A_255 = arith.constant 0 : i32
    %dma_start3A_256 = tpu.memref_slice %arg3[%add3A_249, %dma_start3A_255] : memref<8192x1024xf32, #tpu.memory_space<hbm>> -> memref<16x1024xf32, #tpu.memory_space<hbm>>
    %dma_start3A_257 = arith.constant 0 : i32
    %dma_start3A_258 = arith.constant 0 : i32
    %dma_start3A_259 = tpu.memref_slice %arg5[%dma_start3A_257, %dma_start3A_258] : memref<56x1024xf32, #tpu.memory_space<vmem>> -> memref<16x1024xf32, #tpu.memory_space<vmem>>
    tpu.enqueue_dma source(%dma_start3A_259 : memref<16x1024xf32, #tpu.memory_space<vmem>>) target(%dma_start3A_256 : memref<16x1024xf32, #tpu.memory_space<hbm>>) target_semaphore(%arg9 : memref<!tpu.dma_semaphore, #tpu.memory_space<semaphore_mem>>)
    %dma_wait3A_260 = arith.constant 0 : i32
    %dma_wait3A_261 = arith.constant 0 : i32
    %dma_wait3A_262 = tpu.memref_slice %arg5[%dma_wait3A_260, %dma_wait3A_261] : memref<56x1024xf32, #tpu.memory_space<vmem>> -> memref<16x1024xf32, #tpu.memory_space<vmem>>
    %dma_wait3A_263 = arith.constant 0 : i32
    %dma_wait3A_264 = tpu.memref_slice %arg3[%add3A_249, %dma_wait3A_263] : memref<8192x1024xf32, #tpu.memory_space<hbm>> -> memref<16x1024xf32, #tpu.memory_space<hbm>>
    %dma_wait3A_265 = arith.constant 0 : i32
    %dma_wait3A_266 = tpu.memref_slice %arg3[%add3A_249, %dma_wait3A_265] : memref<8192x1024xf32, #tpu.memory_space<hbm>> -> memref<16x1024xf32, #tpu.memory_space<hbm>>
    %dma_wait3A_267 = arith.constant 0 : i32
    %dma_wait3A_268 = arith.constant 0 : i32
    %dma_wait3A_269 = tpu.memref_slice %arg5[%dma_wait3A_267, %dma_wait3A_268] : memref<56x1024xf32, #tpu.memory_space<vmem>> -> memref<16x1024xf32, #tpu.memory_space<vmem>>
    tpu.wait_dma2 semaphore(%arg9 : memref<!tpu.dma_semaphore, #tpu.memory_space<semaphore_mem>>) src(%dma_wait3A_269 : memref<16x1024xf32, #tpu.memory_space<vmem>>) dst(%dma_wait3A_266 : memref<16x1024xf32, #tpu.memory_space<hbm>>)
    %dma_start3A_270 = arith.constant 0 : i32
    %dma_start3A_271 = arith.constant 0 : i32
    %dma_start3A_272 = tpu.memref_slice %arg5[%dma_start3A_270, %dma_start3A_271] : memref<56x1024xf32, #tpu.memory_space<vmem>> -> memref<56x1024xf32, #tpu.memory_space<vmem>>
    %dma_start3A_273 = arith.constant 72 : i32
    %dma_start3A_274 = tpu.memref_slice %arg4[%dma_start3A_273] : memref<256xi32, #tpu.memory_space<vmem>> -> memref<56xi32, #tpu.memory_space<vmem>>
    %dma_start3A_275 = arith.constant 0 : i32
    %dma_start3A_276 = arith.constant 0 : i32
    %dma_start3A_277 = tpu.memref_slice %arg2[%dma_start3A_275, %dma_start3A_276] : memref<65536x1024xf32, #tpu.memory_space<hbm>> -> memref<65536x1024xf32, #tpu.memory_space<hbm>>
    tpu.enqueue_indirect_dma source(%dma_start3A_277 : memref<65536x1024xf32, #tpu.memory_space<hbm>>) target(%dma_start3A_272 : memref<56x1024xf32, #tpu.memory_space<vmem>>) offsets(%dma_start3A_274 : memref<56xi32, #tpu.memory_space<vmem>>) semaphore(%arg7 : memref<!tpu.dma_semaphore, #tpu.memory_space<semaphore_mem>>)
    %dma_wait3A_278 = arith.constant 0 : i32
    %dma_wait3A_279 = arith.constant 0 : i32
    %dma_wait3A_280 = tpu.memref_slice %arg6[%dma_wait3A_278, %dma_wait3A_279] : memref<56x1024xf32, #tpu.memory_space<vmem>> -> memref<56x1024xf32, #tpu.memory_space<vmem>>
    %dma_wait3A_281 = arith.constant 16 : i32
    %dma_wait3A_282 = tpu.memref_slice %arg4[%dma_wait3A_281] : memref<256xi32, #tpu.memory_space<vmem>> -> memref<56xi32, #tpu.memory_space<vmem>>
    %dma_wait3A_283 = arith.constant 0 : i32
    %dma_wait3A_284 = arith.constant 0 : i32
    %dma_wait3A_285 = tpu.memref_slice %arg2[%dma_wait3A_283, %dma_wait3A_284] : memref<65536x1024xf32, #tpu.memory_space<hbm>> -> memref<65536x1024xf32, #tpu.memory_space<hbm>>
    tpu.wait_indirect_dma semaphore(%arg8 : memref<!tpu.dma_semaphore, #tpu.memory_space<semaphore_mem>>) src(%dma_wait3A_285 : memref<65536x1024xf32, #tpu.memory_space<hbm>>) dst(%dma_wait3A_280 : memref<56x1024xf32, #tpu.memory_space<vmem>>)
    %add3A_286 = arith.constant 16 : i32
    %add3A_287 = arith.addi %mul3A_2, %add3A_286 : i32
    %dma_start3A_288 = arith.constant 0 : i32
    %dma_start3A_289 = arith.constant 0 : i32
    %dma_start3A_290 = tpu.memref_slice %arg6[%dma_start3A_288, %dma_start3A_289] : memref<56x1024xf32, #tpu.memory_space<vmem>> -> memref<56x1024xf32, #tpu.memory_space<vmem>>
    %dma_start3A_291 = arith.constant 0 : i32
    %dma_start3A_292 = tpu.memref_slice %arg3[%add3A_287, %dma_start3A_291] : memref<8192x1024xf32, #tpu.memory_space<hbm>> -> memref<56x1024xf32, #tpu.memory_space<hbm>>
    %dma_start3A_293 = arith.constant 0 : i32
    %dma_start3A_294 = tpu.memref_slice %arg3[%add3A_287, %dma_start3A_293] : memref<8192x1024xf32, #tpu.memory_space<hbm>> -> memref<56x1024xf32, #tpu.memory_space<hbm>>
    %dma_start3A_295 = arith.constant 0 : i32
    %dma_start3A_296 = arith.constant 0 : i32
    %dma_start3A_297 = tpu.memref_slice %arg6[%dma_start3A_295, %dma_start3A_296] : memref<56x1024xf32, #tpu.memory_space<vmem>> -> memref<56x1024xf32, #tpu.memory_space<vmem>>
    tpu.enqueue_dma source(%dma_start3A_297 : memref<56x1024xf32, #tpu.memory_space<vmem>>) target(%dma_start3A_294 : memref<56x1024xf32, #tpu.memory_space<hbm>>) target_semaphore(%arg10 : memref<!tpu.dma_semaphore, #tpu.memory_space<semaphore_mem>>)
    %dma_wait3A_298 = arith.constant 0 : i32
    %dma_wait3A_299 = arith.constant 0 : i32
    %dma_wait3A_300 = tpu.memref_slice %arg6[%dma_wait3A_298, %dma_wait3A_299] : memref<56x1024xf32, #tpu.memory_space<vmem>> -> memref<56x1024xf32, #tpu.memory_space<vmem>>
    %dma_wait3A_301 = arith.constant 0 : i32
    %dma_wait3A_302 = tpu.memref_slice %arg3[%add3A_287, %dma_wait3A_301] : memref<8192x1024xf32, #tpu.memory_space<hbm>> -> memref<56x1024xf32, #tpu.memory_space<hbm>>
    %dma_wait3A_303 = arith.constant 0 : i32
    %dma_wait3A_304 = tpu.memref_slice %arg3[%add3A_287, %dma_wait3A_303] : memref<8192x1024xf32, #tpu.memory_space<hbm>> -> memref<56x1024xf32, #tpu.memory_space<hbm>>
    %dma_wait3A_305 = arith.constant 0 : i32
    %dma_wait3A_306 = arith.constant 0 : i32
    %dma_wait3A_307 = tpu.memref_slice %arg6[%dma_wait3A_305, %dma_wait3A_306] : memref<56x1024xf32, #tpu.memory_space<vmem>> -> memref<56x1024xf32, #tpu.memory_space<vmem>>
    tpu.wait_dma2 semaphore(%arg10 : memref<!tpu.dma_semaphore, #tpu.memory_space<semaphore_mem>>) src(%dma_wait3A_307 : memref<56x1024xf32, #tpu.memory_space<vmem>>) dst(%dma_wait3A_304 : memref<56x1024xf32, #tpu.memory_space<hbm>>)
    %dma_start3A_308 = arith.constant 0 : i32
    %dma_start3A_309 = arith.constant 0 : i32
    %dma_start3A_310 = tpu.memref_slice %arg6[%dma_start3A_308, %dma_start3A_309] : memref<56x1024xf32, #tpu.memory_space<vmem>> -> memref<56x1024xf32, #tpu.memory_space<vmem>>
    %dma_start3A_311 = arith.constant 128 : i32
    %dma_start3A_312 = tpu.memref_slice %arg4[%dma_start3A_311] : memref<256xi32, #tpu.memory_space<vmem>> -> memref<56xi32, #tpu.memory_space<vmem>>
    %dma_start3A_313 = arith.constant 0 : i32
    %dma_start3A_314 = arith.constant 0 : i32
    %dma_start3A_315 = tpu.memref_slice %arg2[%dma_start3A_313, %dma_start3A_314] : memref<65536x1024xf32, #tpu.memory_space<hbm>> -> memref<65536x1024xf32, #tpu.memory_space<hbm>>
    tpu.enqueue_indirect_dma source(%dma_start3A_315 : memref<65536x1024xf32, #tpu.memory_space<hbm>>) target(%dma_start3A_310 : memref<56x1024xf32, #tpu.memory_space<vmem>>) offsets(%dma_start3A_312 : memref<56xi32, #tpu.memory_space<vmem>>) semaphore(%arg8 : memref<!tpu.dma_semaphore, #tpu.memory_space<semaphore_mem>>)
    %dma_wait3A_316 = arith.constant 0 : i32
    %dma_wait3A_317 = arith.constant 0 : i32
    %dma_wait3A_318 = tpu.memref_slice %arg5[%dma_wait3A_316, %dma_wait3A_317] : memref<56x1024xf32, #tpu.memory_space<vmem>> -> memref<56x1024xf32, #tpu.memory_space<vmem>>
    %dma_wait3A_319 = arith.constant 72 : i32
    %dma_wait3A_320 = tpu.memref_slice %arg4[%dma_wait3A_319] : memref<256xi32, #tpu.memory_space<vmem>> -> memref<56xi32, #tpu.memory_space<vmem>>
    %dma_wait3A_321 = arith.constant 0 : i32
    %dma_wait3A_322 = arith.constant 0 : i32
    %dma_wait3A_323 = tpu.memref_slice %arg2[%dma_wait3A_321, %dma_wait3A_322] : memref<65536x1024xf32, #tpu.memory_space<hbm>> -> memref<65536x1024xf32, #tpu.memory_space<hbm>>
    tpu.wait_indirect_dma semaphore(%arg7 : memref<!tpu.dma_semaphore, #tpu.memory_space<semaphore_mem>>) src(%dma_wait3A_323 : memref<65536x1024xf32, #tpu.memory_space<hbm>>) dst(%dma_wait3A_318 : memref<56x1024xf32, #tpu.memory_space<vmem>>)
    %add3A_324 = arith.constant 72 : i32
    %add3A_325 = arith.addi %mul3A_2, %add3A_324 : i32
    %dma_start3A_326 = arith.constant 0 : i32
    %dma_start3A_327 = arith.constant 0 : i32
    %dma_start3A_328 = tpu.memref_slice %arg5[%dma_start3A_326, %dma_start3A_327] : memref<56x1024xf32, #tpu.memory_space<vmem>> -> memref<56x1024xf32, #tpu.memory_space<vmem>>
    %dma_start3A_329 = arith.constant 0 : i32
    %dma_start3A_330 = tpu.memref_slice %arg3[%add3A_325, %dma_start3A_329] : memref<8192x1024xf32, #tpu.memory_space<hbm>> -> memref<56x1024xf32, #tpu.memory_space<hbm>>
    %dma_start3A_331 = arith.constant 0 : i32
    %dma_start3A_332 = tpu.memref_slice %arg3[%add3A_325, %dma_start3A_331] : memref<8192x1024xf32, #tpu.memory_space<hbm>> -> memref<56x1024xf32, #tpu.memory_space<hbm>>
    %dma_start3A_333 = arith.constant 0 : i32
    %dma_start3A_334 = arith.constant 0 : i32
    %dma_start3A_335 = tpu.memref_slice %arg5[%dma_start3A_333, %dma_start3A_334] : memref<56x1024xf32, #tpu.memory_space<vmem>> -> memref<56x1024xf32, #tpu.memory_space<vmem>>
    tpu.enqueue_dma source(%dma_start3A_335 : memref<56x1024xf32, #tpu.memory_space<vmem>>) target(%dma_start3A_332 : memref<56x1024xf32, #tpu.memory_space<hbm>>) target_semaphore(%arg9 : memref<!tpu.dma_semaphore, #tpu.memory_space<semaphore_mem>>)
    %dma_wait3A_336 = arith.constant 0 : i32
    %dma_wait3A_337 = arith.constant 0 : i32
    %dma_wait3A_338 = tpu.memref_slice %arg5[%dma_wait3A_336, %dma_wait3A_337] : memref<56x1024xf32, #tpu.memory_space<vmem>> -> memref<56x1024xf32, #tpu.memory_space<vmem>>
    %dma_wait3A_339 = arith.constant 0 : i32
    %dma_wait3A_340 = tpu.memref_slice %arg3[%add3A_325, %dma_wait3A_339] : memref<8192x1024xf32, #tpu.memory_space<hbm>> -> memref<56x1024xf32, #tpu.memory_space<hbm>>
    %dma_wait3A_341 = arith.constant 0 : i32
    %dma_wait3A_342 = tpu.memref_slice %arg3[%add3A_325, %dma_wait3A_341] : memref<8192x1024xf32, #tpu.memory_space<hbm>> -> memref<56x1024xf32, #tpu.memory_space<hbm>>
    %dma_wait3A_343 = arith.constant 0 : i32
    %dma_wait3A_344 = arith.constant 0 : i32
    %dma_wait3A_345 = tpu.memref_slice %arg5[%dma_wait3A_343, %dma_wait3A_344] : memref<56x1024xf32, #tpu.memory_space<vmem>> -> memref<56x1024xf32, #tpu.memory_space<vmem>>
    tpu.wait_dma2 semaphore(%arg9 : memref<!tpu.dma_semaphore, #tpu.memory_space<semaphore_mem>>) src(%dma_wait3A_345 : memref<56x1024xf32, #tpu.memory_space<vmem>>) dst(%dma_wait3A_342 : memref<56x1024xf32, #tpu.memory_space<hbm>>)
    %dma_start3A_346 = arith.constant 0 : i32
    %dma_start3A_347 = arith.constant 0 : i32
    %dma_start3A_348 = tpu.memref_slice %arg5[%dma_start3A_346, %dma_start3A_347] : memref<56x1024xf32, #tpu.memory_space<vmem>> -> memref<56x1024xf32, #tpu.memory_space<vmem>>
    %dma_start3A_349 = arith.constant 184 : i32
    %dma_start3A_350 = tpu.memref_slice %arg4[%dma_start3A_349] : memref<256xi32, #tpu.memory_space<vmem>> -> memref<56xi32, #tpu.memory_space<vmem>>
    %dma_start3A_351 = arith.constant 0 : i32
    %dma_start3A_352 = arith.constant 0 : i32
    %dma_start3A_353 = tpu.memref_slice %arg2[%dma_start3A_351, %dma_start3A_352] : memref<65536x1024xf32, #tpu.memory_space<hbm>> -> memref<65536x1024xf32, #tpu.memory_space<hbm>>
    tpu.enqueue_indirect_dma source(%dma_start3A_353 : memref<65536x1024xf32, #tpu.memory_space<hbm>>) target(%dma_start3A_348 : memref<56x1024xf32, #tpu.memory_space<vmem>>) offsets(%dma_start3A_350 : memref<56xi32, #tpu.memory_space<vmem>>) semaphore(%arg7 : memref<!tpu.dma_semaphore, #tpu.memory_space<semaphore_mem>>)
    %dma_wait3A_354 = arith.constant 0 : i32
    %dma_wait3A_355 = arith.constant 0 : i32
    %dma_wait3A_356 = tpu.memref_slice %arg6[%dma_wait3A_354, %dma_wait3A_355] : memref<56x1024xf32, #tpu.memory_space<vmem>> -> memref<56x1024xf32, #tpu.memory_space<vmem>>
    %dma_wait3A_357 = arith.constant 128 : i32
    %dma_wait3A_358 = tpu.memref_slice %arg4[%dma_wait3A_357] : memref<256xi32, #tpu.memory_space<vmem>> -> memref<56xi32, #tpu.memory_space<vmem>>
    %dma_wait3A_359 = arith.constant 0 : i32
    %dma_wait3A_360 = arith.constant 0 : i32
    %dma_wait3A_361 = tpu.memref_slice %arg2[%dma_wait3A_359, %dma_wait3A_360] : memref<65536x1024xf32, #tpu.memory_space<hbm>> -> memref<65536x1024xf32, #tpu.memory_space<hbm>>
    tpu.wait_indirect_dma semaphore(%arg8 : memref<!tpu.dma_semaphore, #tpu.memory_space<semaphore_mem>>) src(%dma_wait3A_361 : memref<65536x1024xf32, #tpu.memory_space<hbm>>) dst(%dma_wait3A_356 : memref<56x1024xf32, #tpu.memory_space<vmem>>)
    %add3A_362 = arith.constant 128 : i32
    %add3A_363 = arith.addi %mul3A_2, %add3A_362 : i32
    %dma_start3A_364 = arith.constant 0 : i32
    %dma_start3A_365 = arith.constant 0 : i32
    %dma_start3A_366 = tpu.memref_slice %arg6[%dma_start3A_364, %dma_start3A_365] : memref<56x1024xf32, #tpu.memory_space<vmem>> -> memref<56x1024xf32, #tpu.memory_space<vmem>>
    %dma_start3A_367 = arith.constant 0 : i32
    %dma_start3A_368 = tpu.memref_slice %arg3[%add3A_363, %dma_start3A_367] : memref<8192x1024xf32, #tpu.memory_space<hbm>> -> memref<56x1024xf32, #tpu.memory_space<hbm>>
    %dma_start3A_369 = arith.constant 0 : i32
    %dma_start3A_370 = tpu.memref_slice %arg3[%add3A_363, %dma_start3A_369] : memref<8192x1024xf32, #tpu.memory_space<hbm>> -> memref<56x1024xf32, #tpu.memory_space<hbm>>
    %dma_start3A_371 = arith.constant 0 : i32
    %dma_start3A_372 = arith.constant 0 : i32
    %dma_start3A_373 = tpu.memref_slice %arg6[%dma_start3A_371, %dma_start3A_372] : memref<56x1024xf32, #tpu.memory_space<vmem>> -> memref<56x1024xf32, #tpu.memory_space<vmem>>
    tpu.enqueue_dma source(%dma_start3A_373 : memref<56x1024xf32, #tpu.memory_space<vmem>>) target(%dma_start3A_370 : memref<56x1024xf32, #tpu.memory_space<hbm>>) target_semaphore(%arg10 : memref<!tpu.dma_semaphore, #tpu.memory_space<semaphore_mem>>)
    %dma_wait3A_374 = arith.constant 0 : i32
    %dma_wait3A_375 = arith.constant 0 : i32
    %dma_wait3A_376 = tpu.memref_slice %arg6[%dma_wait3A_374, %dma_wait3A_375] : memref<56x1024xf32, #tpu.memory_space<vmem>> -> memref<56x1024xf32, #tpu.memory_space<vmem>>
    %dma_wait3A_377 = arith.constant 0 : i32
    %dma_wait3A_378 = tpu.memref_slice %arg3[%add3A_363, %dma_wait3A_377] : memref<8192x1024xf32, #tpu.memory_space<hbm>> -> memref<56x1024xf32, #tpu.memory_space<hbm>>
    %dma_wait3A_379 = arith.constant 0 : i32
    %dma_wait3A_380 = tpu.memref_slice %arg3[%add3A_363, %dma_wait3A_379] : memref<8192x1024xf32, #tpu.memory_space<hbm>> -> memref<56x1024xf32, #tpu.memory_space<hbm>>
    %dma_wait3A_381 = arith.constant 0 : i32
    %dma_wait3A_382 = arith.constant 0 : i32
    %dma_wait3A_383 = tpu.memref_slice %arg6[%dma_wait3A_381, %dma_wait3A_382] : memref<56x1024xf32, #tpu.memory_space<vmem>> -> memref<56x1024xf32, #tpu.memory_space<vmem>>
    tpu.wait_dma2 semaphore(%arg10 : memref<!tpu.dma_semaphore, #tpu.memory_space<semaphore_mem>>) src(%dma_wait3A_383 : memref<56x1024xf32, #tpu.memory_space<vmem>>) dst(%dma_wait3A_380 : memref<56x1024xf32, #tpu.memory_space<hbm>>)
    %dma_start3A_384 = arith.constant 0 : i32
    %dma_start3A_385 = arith.constant 0 : i32
    %dma_start3A_386 = tpu.memref_slice %arg6[%dma_start3A_384, %dma_start3A_385] : memref<56x1024xf32, #tpu.memory_space<vmem>> -> memref<16x1024xf32, #tpu.memory_space<vmem>>
    %dma_start3A_387 = arith.constant 240 : i32
    %dma_start3A_388 = tpu.memref_slice %arg4[%dma_start3A_387] : memref<256xi32, #tpu.memory_space<vmem>> -> memref<16xi32, #tpu.memory_space<vmem>>
    %dma_start3A_389 = arith.constant 0 : i32
    %dma_start3A_390 = arith.constant 0 : i32
    %dma_start3A_391 = tpu.memref_slice %arg2[%dma_start3A_389, %dma_start3A_390] : memref<65536x1024xf32, #tpu.memory_space<hbm>> -> memref<65536x1024xf32, #tpu.memory_space<hbm>>
    tpu.enqueue_indirect_dma source(%dma_start3A_391 : memref<65536x1024xf32, #tpu.memory_space<hbm>>) target(%dma_start3A_386 : memref<16x1024xf32, #tpu.memory_space<vmem>>) offsets(%dma_start3A_388 : memref<16xi32, #tpu.memory_space<vmem>>) semaphore(%arg8 : memref<!tpu.dma_semaphore, #tpu.memory_space<semaphore_mem>>)
    %dma_wait3A_392 = arith.constant 0 : i32
    %dma_wait3A_393 = arith.constant 0 : i32
    %dma_wait3A_394 = tpu.memref_slice %arg5[%dma_wait3A_392, %dma_wait3A_393] : memref<56x1024xf32, #tpu.memory_space<vmem>> -> memref<56x1024xf32, #tpu.memory_space<vmem>>
    %dma_wait3A_395 = arith.constant 184 : i32
    %dma_wait3A_396 = tpu.memref_slice %arg4[%dma_wait3A_395] : memref<256xi32, #tpu.memory_space<vmem>> -> memref<56xi32, #tpu.memory_space<vmem>>
    %dma_wait3A_397 = arith.constant 0 : i32
    %dma_wait3A_398 = arith.constant 0 : i32
    %dma_wait3A_399 = tpu.memref_slice %arg2[%dma_wait3A_397, %dma_wait3A_398] : memref<65536x1024xf32, #tpu.memory_space<hbm>> -> memref<65536x1024xf32, #tpu.memory_space<hbm>>
    tpu.wait_indirect_dma semaphore(%arg7 : memref<!tpu.dma_semaphore, #tpu.memory_space<semaphore_mem>>) src(%dma_wait3A_399 : memref<65536x1024xf32, #tpu.memory_space<hbm>>) dst(%dma_wait3A_394 : memref<56x1024xf32, #tpu.memory_space<vmem>>)
    %add3A_400 = arith.constant 184 : i32
    %add3A_401 = arith.addi %mul3A_2, %add3A_400 : i32
    %dma_start3A_402 = arith.constant 0 : i32
    %dma_start3A_403 = arith.constant 0 : i32
    %dma_start3A_404 = tpu.memref_slice %arg5[%dma_start3A_402, %dma_start3A_403] : memref<56x1024xf32, #tpu.memory_space<vmem>> -> memref<56x1024xf32, #tpu.memory_space<vmem>>
    %dma_start3A_405 = arith.constant 0 : i32
    %dma_start3A_406 = tpu.memref_slice %arg3[%add3A_401, %dma_start3A_405] : memref<8192x1024xf32, #tpu.memory_space<hbm>> -> memref<56x1024xf32, #tpu.memory_space<hbm>>
    %dma_start3A_407 = arith.constant 0 : i32
    %dma_start3A_408 = tpu.memref_slice %arg3[%add3A_401, %dma_start3A_407] : memref<8192x1024xf32, #tpu.memory_space<hbm>> -> memref<56x1024xf32, #tpu.memory_space<hbm>>
    %dma_start3A_409 = arith.constant 0 : i32
    %dma_start3A_410 = arith.constant 0 : i32
    %dma_start3A_411 = tpu.memref_slice %arg5[%dma_start3A_409, %dma_start3A_410] : memref<56x1024xf32, #tpu.memory_space<vmem>> -> memref<56x1024xf32, #tpu.memory_space<vmem>>
    tpu.enqueue_dma source(%dma_start3A_411 : memref<56x1024xf32, #tpu.memory_space<vmem>>) target(%dma_start3A_408 : memref<56x1024xf32, #tpu.memory_space<hbm>>) target_semaphore(%arg9 : memref<!tpu.dma_semaphore, #tpu.memory_space<semaphore_mem>>)
    %dma_wait3A_412 = arith.constant 0 : i32
    %dma_wait3A_413 = arith.constant 0 : i32
    %dma_wait3A_414 = tpu.memref_slice %arg6[%dma_wait3A_412, %dma_wait3A_413] : memref<56x1024xf32, #tpu.memory_space<vmem>> -> memref<16x1024xf32, #tpu.memory_space<vmem>>
    %dma_wait3A_415 = arith.constant 240 : i32
    %dma_wait3A_416 = tpu.memref_slice %arg4[%dma_wait3A_415] : memref<256xi32, #tpu.memory_space<vmem>> -> memref<16xi32, #tpu.memory_space<vmem>>
    %dma_wait3A_417 = arith.constant 0 : i32
    %dma_wait3A_418 = arith.constant 0 : i32
    %dma_wait3A_419 = tpu.memref_slice %arg2[%dma_wait3A_417, %dma_wait3A_418] : memref<65536x1024xf32, #tpu.memory_space<hbm>> -> memref<65536x1024xf32, #tpu.memory_space<hbm>>
    tpu.wait_indirect_dma semaphore(%arg8 : memref<!tpu.dma_semaphore, #tpu.memory_space<semaphore_mem>>) src(%dma_wait3A_419 : memref<65536x1024xf32, #tpu.memory_space<hbm>>) dst(%dma_wait3A_414 : memref<16x1024xf32, #tpu.memory_space<vmem>>)
    %add3A_420 = arith.constant 240 : i32
    %add3A_421 = arith.addi %mul3A_2, %add3A_420 : i32
    %dma_start3A_422 = arith.constant 0 : i32
    %dma_start3A_423 = arith.constant 0 : i32
    %dma_start3A_424 = tpu.memref_slice %arg6[%dma_start3A_422, %dma_start3A_423] : memref<56x1024xf32, #tpu.memory_space<vmem>> -> memref<16x1024xf32, #tpu.memory_space<vmem>>
    %dma_start3A_425 = arith.constant 0 : i32
    %dma_start3A_426 = tpu.memref_slice %arg3[%add3A_421, %dma_start3A_425] : memref<8192x1024xf32, #tpu.memory_space<hbm>> -> memref<16x1024xf32, #tpu.memory_space<hbm>>
    %dma_start3A_427 = arith.constant 0 : i32
    %dma_start3A_428 = tpu.memref_slice %arg3[%add3A_421, %dma_start3A_427] : memref<8192x1024xf32, #tpu.memory_space<hbm>> -> memref<16x1024xf32, #tpu.memory_space<hbm>>
    %dma_start3A_429 = arith.constant 0 : i32
    %dma_start3A_430 = arith.constant 0 : i32
    %dma_start3A_431 = tpu.memref_slice %arg6[%dma_start3A_429, %dma_start3A_430] : memref<56x1024xf32, #tpu.memory_space<vmem>> -> memref<16x1024xf32, #tpu.memory_space<vmem>>
    tpu.enqueue_dma source(%dma_start3A_431 : memref<16x1024xf32, #tpu.memory_space<vmem>>) target(%dma_start3A_428 : memref<16x1024xf32, #tpu.memory_space<hbm>>) target_semaphore(%arg10 : memref<!tpu.dma_semaphore, #tpu.memory_space<semaphore_mem>>)
    %dma_wait3A_432 = arith.constant 0 : i32
    %dma_wait3A_433 = arith.constant 0 : i32
    %dma_wait3A_434 = tpu.memref_slice %arg5[%dma_wait3A_432, %dma_wait3A_433] : memref<56x1024xf32, #tpu.memory_space<vmem>> -> memref<56x1024xf32, #tpu.memory_space<vmem>>
    %dma_wait3A_435 = arith.constant 0 : i32
    %dma_wait3A_436 = tpu.memref_slice %arg3[%add3A_401, %dma_wait3A_435] : memref<8192x1024xf32, #tpu.memory_space<hbm>> -> memref<56x1024xf32, #tpu.memory_space<hbm>>
    %dma_wait3A_437 = arith.constant 0 : i32
    %dma_wait3A_438 = tpu.memref_slice %arg3[%add3A_401, %dma_wait3A_437] : memref<8192x1024xf32, #tpu.memory_space<hbm>> -> memref<56x1024xf32, #tpu.memory_space<hbm>>
    %dma_wait3A_439 = arith.constant 0 : i32
    %dma_wait3A_440 = arith.constant 0 : i32
    %dma_wait3A_441 = tpu.memref_slice %arg5[%dma_wait3A_439, %dma_wait3A_440] : memref<56x1024xf32, #tpu.memory_space<vmem>> -> memref<56x1024xf32, #tpu.memory_space<vmem>>
    tpu.wait_dma2 semaphore(%arg9 : memref<!tpu.dma_semaphore, #tpu.memory_space<semaphore_mem>>) src(%dma_wait3A_441 : memref<56x1024xf32, #tpu.memory_space<vmem>>) dst(%dma_wait3A_438 : memref<56x1024xf32, #tpu.memory_space<hbm>>)
    %dma_wait3A_442 = arith.constant 0 : i32
    %dma_wait3A_443 = arith.constant 0 : i32
    %dma_wait3A_444 = tpu.memref_slice %arg6[%dma_wait3A_442, %dma_wait3A_443] : memref<56x1024xf32, #tpu.memory_space<vmem>> -> memref<16x1024xf32, #tpu.memory_space<vmem>>
    %dma_wait3A_445 = arith.constant 0 : i32
    %dma_wait3A_446 = tpu.memref_slice %arg3[%add3A_421, %dma_wait3A_445] : memref<8192x1024xf32, #tpu.memory_space<hbm>> -> memref<16x1024xf32, #tpu.memory_space<hbm>>
    %dma_wait3A_447 = arith.constant 0 : i32
    %dma_wait3A_448 = tpu.memref_slice %arg3[%add3A_421, %dma_wait3A_447] : memref<8192x1024xf32, #tpu.memory_space<hbm>> -> memref<16x1024xf32, #tpu.memory_space<hbm>>
    %dma_wait3A_449 = arith.constant 0 : i32
    %dma_wait3A_450 = arith.constant 0 : i32
    %dma_wait3A_451 = tpu.memref_slice %arg6[%dma_wait3A_449, %dma_wait3A_450] : memref<56x1024xf32, #tpu.memory_space<vmem>> -> memref<16x1024xf32, #tpu.memory_space<vmem>>
    tpu.wait_dma2 semaphore(%arg10 : memref<!tpu.dma_semaphore, #tpu.memory_space<semaphore_mem>>) src(%dma_wait3A_451 : memref<16x1024xf32, #tpu.memory_space<vmem>>) dst(%dma_wait3A_448 : memref<16x1024xf32, #tpu.memory_space<hbm>>)
    return
  }
}

</mosaic_0001>

<sc_bundles>
// kernel: kernel.3.cloned.1.call-start
scs
__scs_entry_jumppad:
0x0: {  	(pc) =	sbr.rel $0x88, $3  }
0x1: {  	(tag) =	ssettag $0x0;
	lr =	simm.s32 $0x1  }
0x2: {  	[smem:$0x3FA0] =	sst lr;
	_ =	strace $0xD0000000  }
0x3: {  	_ = 	snop  }
0x4: {  	_ = 	snop  }
0x5: {  	_ = 	snop  }
0x6: {  	_ = 	snop  }
0x7: {  	_ = 	snop  }
__scs_overlays_trampoline_lowered:
0x8: {  	[smem:$0x3FAF] =	sst s0  }
0x9: {  	[smem:$0x3FB0] =	sst s1  }
0xa: {  	[smem:$0x3FB1] =	sst s2  }
0xb: {  	[smem:$0x3FB2] =	sst s3  }
0xc: {  	[smem:$0x3FB3] =	sst s4  }
0xd: {  	[smem:$0x3FB4] =	sst s5  }
0xe: {  	[smem:$0x3FB5] =	sst s6  }
0xf: {  	[smem:$0x3FB6] =	sst s7  }
0x10: {  	[smem:$0x3FB7] =	sst s8  }
0x11: {  	[smem:$0x3FB8] =	sst s9;
	s0 =	simm.s32 @!p0 $0x0  }
0x12: {  	s1 =	sld [smem:$0x3F9E];
	s0 =	simm.s32 @p0 $0x1  }
0x13: {  	[smem:$0x3FB9] =	sst s0;
	s0 =	simm.s32 @!p1 $0x0  }
0x14: {  	s2 =	sld [smem:$0x3F9D];
	s0 =	simm.s32 @p1 $0x1  }
0x15: {  	[smem:$0x3FBA] =	sst s0;
	s0 =	simm.s32 @!p2 $0x0  }
0x16: {  	s3 =	sld [smem:$0x3FDB];
	s0 =	simm.s32 @p2 $0x1  }
0x17: {  	s4 =	simm.s32 $0x1BF5;
	[smem:$0x3FBC] =	sst s0  }
0x18: {  	s0 =	sld [smem:$0x3F9F];
	_ =	swait.ge [sflag:s4], $0x0  }
0x19: {  	s7 =	sld [smem:$0x3FA0]  }
0x1a: {  	s8 =	sadd.s32 $0xFFFFE003, lr  }
0x1b: {  	s9 =	sadd.s32 $0xFFFFFEF7, lr;
	s5 =	simm.s32 $0xFFFFFFFF;
	p2 =	slt.u32 s8, $0xFFFFF086  }
0x1c: {  	p1 =	slt.u32 s9, $0xF7A;
	s5 =	simm.s32 @!p2 $0x0  }
0x1d: {  	s5 =	simm.s32 @p1 $0x1;
	p0 =	seq.s32 s7, s2  }
0x1e: {  	s7 =	smul.u32 @!p0 $0xF7A, s2;
	p2 =	seq.s32 @!p0 s5, $0x0  }
0x1f: {  	s9 =	smul.u32 $0xF7A, s1;
	s8 =	simm.s32 @!p0 $0x1BF5;
	p2 =	por !p2, p0  }
0x20: {  	[sflag:s8] =	ssyncset.s32 @!p0 $0xFFFFF086;
	s6 =	sadd.s32 @!p0 s3, s7;
	s7 =	simm.s32 @!p0 $0x108  }
0x21: {  	s3 =	sadd.s32 s3, s9;
	s6 =	sadd.s32 @!p0 $0x88, s6;
	s7 =	simm.s32 @p2 $0x1082  }
0x22: {  	[simem:s7], [sflag:s8] =	dma.local @!p0 [hbm:s6], $0xF7A  }
0x23: {  	s9 =	sor.u32 $0xD0000000, s2;
	s6 =	simm.s32 $0x108;
	_ =	swait.ge @!p0 [sflag:s8], $0x0  }
0x24: {  	s3 =	sadd.s32 $0x88, s3;
	s6 =	simm.s32 @!p1 $0x1082;
	[sflag:s4] =	ssyncset.s32 $0xFFFFF086  }
0x25: {  	[simem:s6], [sflag:s4] =	dma.local [hbm:s3], $0xF7A  }
0x26: {  	[smem:$0x3FA0] =	sst s1;
	(tag) =	ssettag s2;
	_ =	strace s9  }
0x27: {  	s1 =	sld [smem:$0x3FB0]  }
0x28: {  	s2 =	sld [smem:$0x3FB1]  }
0x29: {  	s4 =	sld [smem:$0x3FB3]  }
0x2a: {  	p0 =	seq.s32 s5, $0x0;
	s5 =	sld [smem:$0x3FB4]  }
0x2b: {  	s6 =	sld [smem:$0x3FB5]  }
0x2c: {  	s7 =	sld [smem:$0x3FB6]  }
0x2d: {  	s3 =	simm.s32 $0x108;
	s8 =	sld [smem:$0x3FB7]  }
0x2e: {  	s3 =	simm.s32 @!p0 $0x1082;
	s9 =	sld [smem:$0x3FB8]  }
0x2f: {  	lr =	sadd.s32 s0, s3;
	s0 =	sld [smem:$0x3FAF]  }
0x30: {  	s3 =	sld [smem:$0x3FB2]  }
0x31: {  	[smem:$0x3FBB] =	sst s10  }
0x32: {  	s10 =	sld [smem:$0x3FB9];
	_ =	sdelay $0x3  }
0x33: {  	p0 =	seq.s32 s10, $0x1;
	s10 =	sld [smem:$0x3FBB];
	_ =	sdelay $0x3  }
0x34: {  	[smem:$0x3FBB] =	sst s10  }
0x35: {  	s10 =	sld [smem:$0x3FBA];
	_ =	sdelay $0x3  }
0x36: {  	p1 =	seq.s32 s10, $0x1;
	s10 =	sld [smem:$0x3FBB];
	_ =	sdelay $0x3  }
0x37: {  	[smem:$0x3FBB] =	sst s10  }
0x38: {  	s10 =	sld [smem:$0x3FBC]  }
0x39: {  	_ = 	snop;
	(pc) =	sbr.ind lr, $3  }
0x3a: {  	_ = 	snop  }
0x3b: {  	_ = 	snop  }
0x3c: {  	p2 =	seq.s32 s10, $0x1;
	s10 =	sld [smem:$0x3FBB]  }
0x3d: {  	_ =	shalt  }
0x3e: {  	_ =	shalt  }
0x3f: {  	_ =	shalt  }
0x40: {  	_ =	shalt  }
0x41: {  	_ =	shalt  }
0x42: {  	_ =	shalt  }
0x43: {  	_ =	shalt  }
0x44: {  	_ =	shalt  }
0x45: {  	_ =	shalt  }
0x46: {  	_ =	shalt  }
0x47: {  	_ =	shalt  }
0x48: {  	_ =	shalt  }
0x49: {  	_ =	shalt  }
0x4a: {  	_ =	shalt  }
0x4b: {  	_ =	shalt  }
0x4c: {  	_ =	shalt  }
0x4d: {  	_ =	shalt  }
0x4e: {  	_ =	shalt  }
0x4f: {  	_ =	shalt  }
0x50: {  	_ =	shalt  }
0x51: {  	_ =	shalt  }
0x52: {  	_ =	shalt  }
0x53: {  	_ =	shalt  }
0x54: {  	_ =	shalt  }
0x55: {  	_ =	shalt  }
0x56: {  	_ =	shalt  }
0x57: {  	_ =	shalt  }
0x58: {  	_ =	shalt  }
0x59: {  	_ =	shalt  }
0x5a: {  	_ =	shalt  }
0x5b: {  	_ =	shalt  }
0x5c: {  	_ =	shalt  }
0x5d: {  	_ =	shalt  }
0x5e: {  	_ =	shalt  }
0x5f: {  	_ =	shalt  }
0x60: {  	_ =	shalt  }
0x61: {  	_ =	shalt  }
0x62: {  	_ =	shalt  }
0x63: {  	_ =	shalt  }
0x64: {  	_ =	shalt  }
0x65: {  	_ =	shalt  }
0x66: {  	_ =	shalt  }
0x67: {  	_ =	shalt  }
0x68: {  	_ =	shalt  }
0x69: {  	_ =	shalt  }
0x6a: {  	_ =	shalt  }
0x6b: {  	_ =	shalt  }
0x6c: {  	_ =	shalt  }
0x6d: {  	_ =	shalt  }
0x6e: {  	_ =	shalt  }
0x6f: {  	_ =	shalt  }
0x70: {  	_ =	shalt  }
0x71: {  	_ =	shalt  }
0x72: {  	_ =	shalt  }
0x73: {  	_ =	shalt  }
0x74: {  	_ =	shalt  }
0x75: {  	_ =	shalt  }
0x76: {  	_ =	shalt  }
0x77: {  	_ =	shalt  }
0x78: {  	_ =	shalt  }
0x79: {  	_ =	shalt  }
0x7a: {  	_ =	shalt  }
0x7b: {  	_ =	shalt  }
0x7c: {  	_ =	shalt  }
0x7d: {  	_ =	shalt  }
0x7e: {  	_ =	shalt  }
0x7f: {  	_ =	shalt  }
0x80: {  	_ =	shalt  }
0x81: {  	_ =	shalt  }
0x82: {  	_ =	shalt  }
0x83: {  	_ =	shalt  }
0x84: {  	_ =	shalt  }
0x85: {  	_ =	shalt  }
0x86: {  	_ =	shalt  }
0x87: {  	_ =	shalt  }
.Lfunc_end0:
.L_simem_size_0:
called_computation_lowered:
.L_overlay_start_0:
0x88: {  	s2 =	sld [smem:$0x3FD9]  }
0x89: {  	s3 =	sld [smem:$0x3FFE];
	_ =	sdelay $0x1  }
0x8a: {  	s1 =	srdreg.scid  }
0x8b: {  	s0 =	sand.u32 $0x1, s1  }
0x8c: {  	s18 =	sshll.u32 s0, $0xA;
	s2 =	sadd.s32 s3, s2  }
0x8d: {  	s2 =	sadd.s32 s2, s18  }
0x8e: {  	[smem:$0x3FC7] =	sst s2  }
0x8f: {  	_ = 	snop  }
0x90: {  	s2 =	sld [smem:$0x3FC9]  }
0x91: {  	s19 =	sld [smem:$0x3FD0];
	(tm) =	ssettm $0x1  }
0x92: {  	s4 =	sld [smem:$0x3FFB];
	_ =	sdelay $0x3  }
0x93: {  	_ =	strace s4  }
0x94: {  	s4 =	sld [smem:$0x3FFC];
	_ =	sdelay $0x3  }
0x95: {  	_ =	strace s4  }
0x96: {  	s4 =	sld [smem:$0x3FFD];
	_ =	sdelay $0x3  }
0x97: {  	_ =	strace s4  }
0x98: {  	_ =	strace $0x8FFFFFFF  }
0x99: {  	s20 =	sld [smem:$0x3FDB];
	_ =	sdelay $0x1  }
0x9a: {  	s5 =	simm.s32 $_scs_section_size  }
0x9b: {  	s6 =	simm.s32 $_size__tile_overlayer_lowered;
	s7 =	simm.s32 $_tile_overlayer_lowered  }
0x9c: {  	s23 =	simm.s32 $0x1BFF;
	s22 =	sshll.u32 s7, $0x1;
	s4 =	sadd.s32 s5, s20  }
0x9d: {  	s8 =	simm.s32 $0x0;
	s21 =	sshll.u32 s6, $0x1;
	s6 =	sadd.s32 s22, s4  }
0x9e: {  	[timem:s8], [sflag:s23] =	dma.local [hbm:s6], s21  }
0x9f: {  	_ =	swait.ge [sflag:s23], s21  }
0xa0: {  	s5 =	ssub.s32 $0x0, s21;
	[sflag:s23] =	ssyncset.done $0x0  }
0xa1: {  	[sflag:s23] =	ssyncadd.s32 s5;
	_ =	sdelay $0x1  }
0xa2: {  	s24 =	simm.s32 $0x1B8B  }
0xa3: {  	_ =	swait.ge [sflag:s24], $0x1  }
0xa4: {  	[sflag:s24] =	ssyncset.done $0x0  }
0xa5: {  	s25 =	simm.s32 $0x1B8E;
	[sflag:s24] =	ssyncadd.s32 $0xFFFFFFFF  }
0xa6: {  	s26 =	simm.s32 $execute0_lowered;
	[smem:$0x3FD2] =	sst s25  }
0xa7: {  	s5 =	sshll.u32 s26, $0x1;
	_ =	strace $0x80000046;
	[dreg:$0x1] =	wrdreg $0xFFFFFFFF  }
0xa8: {  	s28 =	simm.s32 $_size_execute0_lowered;
	s4 =	sadd.s32 s4, s5;
	[dreg:$0x0] =	wrdreg $0x0  }
0xa9: {  	s5 =	sshll.u32 s28, $0x1;
	[dreg:$0x2] =	wrdreg s4  }
0xaa: {  	[dreg:$0x3] =	wrdreg s5  }
0xab: {  	[dreg:$0x4] =	wrdreg $0xC0  }
0xac: {  	_ =	task [dreg:s8], $0x5FFFF  }
0xad: {  	[dreg:$0x1] =	wrdreg $0xFFFFFFFF  }
0xae: {  	[dreg:$0x0] =	wrdreg $0x60  }
0xaf: {  	[dreg:$0x2] =	wrdreg s2  }
0xb0: {  	[dreg:$0x3] =	wrdreg s19  }
0xb1: {  	[dreg:$0x4] =	wrdreg $0x9  }
0xb2: {  	_ =	task.clear_ibuf [dreg:s8], $0x5FFFF;
	_ =	strace $0x90000046  }
0xb3: {  	s29 =	simm.s32 $0x9;
	_ =	strace $0x80000048  }
0xb4: {  	_ =	swait.ge [sflag:s29], $0x1  }
0xb5: {  	[sflag:s29] =	ssyncadd.s32 $0xFFFFFFFF  }
0xb6: {  	_ =	strace $0x90000048  }
0xb7: {  	_ =	sfence  }
0xb8: {  	s30 =	sld [smem:$0x0];
	_ =	sdelay $0x2  }
0xb9: {  	s31 =	sshll.u32 s1, $0xD;
	s1 =	sshrl.u32 s1, $0x2  }
0xba: {  	s3 =	sand.u32 $0x4000, s31;
	s1 =	sadd.s32 s1, s30  }
0xbb: {  	s0 =	sor.u32 s3, s0;
	s1 =	sshll.u32 s1, $0x11  }
0xbc: {  	s0 =	sor.u32 s1, s0  }
0xbd: {  	s0 =	sadd.s32 $0x8F2B, s0  }
0xbe: {  	[sflag:s0] =	ssyncadd.remote.s32 $0x1  }
0xbf: {  	_ =	sfence.sel $0xFFFF  }
0xc0: {  	[dreg:$0x0] =	wrdreg $0xFFFFFFFF;
	(pc) =	sbr.abs _section_cstart, $3  }
0xc1: {  	[dreg:$0x1] =	wrdreg $0xFFFFFFFF  }
0xc2: {  	_ =	task.clear_ibuf [dreg:s8], $0x2FFFF;
	_ =	strace $0x9FFFFFFF  }
0xc3: {  	(tm) =	ssettm $0x7FFFFFFF  }
tec
execute0_lowered:
.L_overlay_start_1:
0x0: {  	(tag) =	ssettag $0x1  }
0x1: {  	s3 =	srdreg.scid  }
0x2: {  	s6 =	stileid.u32;
	s3 =	sand.u32 $0x1, s3  }
0x3: {  	v2 =	vlaneseq.u32;
	s6 =	sshll.u32 s6, $0x9;
	s4 =	ssub.s32 $0x2, s3;
	s3 =	sshll.u32 s3, $0x8  }
0x4: {  	s1 =	rddreg [dreg:$0x0];
	v3 =	vshrl.u32 v2, $0x3;
	s3 =	sor.u32 s3, s6  }
0x5: {  	s0 =	rddreg [dreg:$0x1];
	s2 =	simm.s32 $0x0;
	v17 =	vmul.u32 $0x8, v2;
	v3 =	vmul.u32 $0x8, v3;
	s9 =	sor.u32 $0x10, s3;
	v1 =	vor.u32 s3, v2  }
0x6: {  	s12 =	sor.u32 $0x20, s3;
	s13 =	sor.u32 $0x30, s3;
	s14 =	sor.u32 $0x40, s3;
	v0 =	vshll.u32 v1, $0x3;
	v4 =	vshll.u32 v1, $0x6;
	v20 =	vor.u32 s9, v2  }
0x7: {  	s15 =	sor.u32 $0x50, s3;
	s16 =	sor.u32 $0x60, s3;
	s17 =	sor.u32 $0x70, s3;
	v5 =	vmov s12;
	v6 =	vmov s13;
	v7 =	vmov s14  }
0x8: {  	s18 =	sor.u32 $0x80, s3;
	s19 =	sor.u32 $0x90, s3;
	s20 =	sor.u32 $0xA0, s3;
	v8 =	vmov s15;
	v9 =	vmov s16;
	v10 =	vmov s17  }
0x9: {  	s28 =	simm.s32 $0x1;
	s21 =	sor.u32 $0xB0, s3;
	s22 =	sor.u32 $0xC0, s3;
	v11 =	vmov s18;
	v12 =	vmov s19;
	v13 =	vmov s20  }
0xa: {  	s29 =	simm.s32 $0x3;
	[smem:$0x7FF] =	sst s2;
	s24 =	sor.u32 $0xF0, s3;
	v14 =	vmov s21;
	v15 =	vmov s22;
	v1 =	vand.u32 $0x7, v2  }
0xb: {  	s30 =	simm.s32 $0x4;
	_ =	strace $0x80000047;
	s5 =	sshrl.u32 s4, $0x1;
	v19 =	vmov s24;
	v2 =	vor.u32 $0x8, v2;
	v21 =	vperm.xlane v4, v1  }
0xc: {  	s6 =	sadd.s32 $0x300, s1;
	s7 =	ssub.s32 s4, s5;
	s4 =	sadd.s32 $0x100, s1;
	v22 =	vperm.xlane v4, v2;
	v4 =	vshll.u32 v5, $0x3;
	v5 =	vshll.u32 v6, $0x3  }
0xd: {  	s5 =	sadd.s32 $0x200, s1;
	s8 =	sshll.u32 s3, $0x7;
	s10 =	sshll.u32 s9, $0x7;
	v6 =	vshll.u32 v7, $0x3;
	v7 =	vshll.u32 v8, $0x3;
	v8 =	vshll.u32 v9, $0x3  }
0xe: {  	s11 =	sadd.s32 s0, s8;
	s23 =	sshll.u32 s18, $0x7;
	s8 =	smax.u32 s7, $0x1;
	v9 =	vshll.u32 v10, $0x3;
	v10 =	vshll.u32 v11, $0x3;
	v11 =	vshll.u32 v12, $0x3  }
0xf: {  	s25 =	sadd.s32 s0, s23;
	s23 =	sor.u32 $0xD0, s3;
	s3 =	sor.u32 $0xE0, s3;
	v12 =	vshll.u32 v13, $0x3;
	v13 =	vshll.u32 v14, $0x3;
	v14 =	vshll.u32 v15, $0x3  }
0x10: {  	s17 =	simm.s32 $0x100;
	s9 =	simm.s32 $0x12100;
	s7 =	simm.s32 $0x13100;
	v16 =	vmov s23;
	v18 =	vmov s3;
	v4 =	vor.u32 v17, v4  }
0x11: {  	s12 =	simm.s32 $0x15100;
	s13 =	simm.s32 $0x15900;
	s14 =	simm.s32 $0x16100;
	v5 =	vor.u32 v17, v5;
	v6 =	vor.u32 v17, v6;
	v7 =	vor.u32 v17, v7  }
0x12: {  	s15 =	simm.s32 $0x16900;
	s16 =	simm.s32 $0x17100;
	s18 =	simm.s32 $0x17900;
	v8 =	vor.u32 v17, v8;
	v9 =	vor.u32 v17, v9;
	v10 =	vor.u32 v17, v10  }
0x13: {  	s19 =	simm.s32 $0x18100;
	s31 =	sadd.s32 s0, s10;
	[dreg:$0x8] =	wrdreg s11;
	v11 =	vor.u32 v17, v11;
	v12 =	vor.u32 v17, v12;
	v13 =	vor.u32 v17, v13  }
0x14: {  	s20 =	simm.s32 $0x18900;
	s10 =	sadd.s32 $0x2400, s11;
	[dreg:$0x3] =	wrdreg s31;
	v14 =	vor.u32 v17, v14;
	v15 =	vshll.u32 v16, $0x3;
	v16 =	vshll.u32 v18, $0x3  }
0x15: {  	s21 =	simm.s32 $0x19100;
	s22 =	simm.s32 $0x19900;
	[dreg:$0x4] =	wrdreg s10;
	v18 =	vshll.u32 v19, $0x3;
	v19 =	vshll.u32 v20, $0x6;
	v15 =	vor.u32 v17, v15  }
0x16: {  	s26 =	sadd.s32 $0x5C00, s11;
	s11 =	simm.s32 $0x14900;
	[dreg:$0x5] =	wrdreg s25;
	v16 =	vor.u32 v17, v16;
	v17 =	vor.u32 v17, v18;
	v18 =	vadd.s32 v3, v21  }
0x17: {  	s31 =	sshll.u32 s24, $0x7;
	[dreg:$0x6] =	wrdreg s26;
	s26 =	simm.s32 $0x2;
	v23 =	vperm.xlane v19, v1;
	v24 =	vperm.xlane v19, v2  }
0x18: {  	vm0 =	vmmov $0xffff;
	s25 =	simm.s32 $0x13900;
	s10 =	simm.s32 $0x14100;
	s0 =	sadd.s32 s0, s31;
	v20 =	vshll.u32 v20, $0x3  }
0x19: {  	s23 =	simm.s32 $0x1A100;
	s24 =	simm.s32 $0x1A900;
	[dreg:$0x7] =	wrdreg s0;
	v19 =	vadd.s32 v3, v22;
	v21 =	vadd.s32 v3, v23;
	v22 =	vadd.s32 v3, v24  }
.LBB2_1:
0x1a: {  	[tilespmem:$0x0] =	vst v0  }
0x1b: {  	[tilespmem:s17], [sflag:$0x1] =	stream.indirect_vreg.gather [hbm4b:s1+s2], $0x80, v18, vm0, $0xb8;
	[tilespmem:$0x1C100] =	vst v63  }
0x1c: {  	s0 =	simm.s32 $0x900  }
0x1d: {  	[tilespmem:s0], [sflag:$0x1] =	stream.indirect_vreg.gather [hbm4b:s4+s2], $0x80, v18, vm0, $0xb8;
	[tilespmem:$0x1C100] =	vst v63  }
0x1e: {  	s31 =	simm.s32 $0x1100  }
0x1f: {  	[tilespmem:s31], [sflag:$0x1] =	stream.indirect_vreg.gather [hbm4b:s5+s2], $0x80, v18, vm0, $0xb8;
	[tilespmem:$0x1C100] =	vst v63  }
0x20: {  	s3 =	simm.s32 $0x1900  }
0x21: {  	[tilespmem:s3], [sflag:$0x1] =	stream.indirect_vreg.gather [hbm4b:s6+s2], $0x80, v18, vm0, $0xb8;
	[tilespmem:$0x1C100] =	vst v63  }
0x22: {  	s31 =	simm.s32 $0x2100  }
0x23: {  	[tilespmem:s31], [sflag:$0x1] =	stream.indirect_vreg.gather [hbm4b:s1+s2], $0x80, v19, vm0, $0xb8;
	[tilespmem:$0x1C100] =	vst v63  }
0x24: {  	s3 =	simm.s32 $0x2900  }
0x25: {  	[tilespmem:s3], [sflag:$0x1] =	stream.indirect_vreg.gather [hbm4b:s4+s2], $0x80, v19, vm0, $0xb8;
	[tilespmem:$0x1C100] =	vst v63  }
0x26: {  	s31 =	simm.s32 $0x3100  }
0x27: {  	[tilespmem:s31], [sflag:$0x1] =	stream.indirect_vreg.gather [hbm4b:s5+s2], $0x80, v19, vm0, $0xb8;
	[tilespmem:$0x1C100] =	vst v63  }
0x28: {  	s3 =	simm.s32 $0x3900  }
0x29: {  	[tilespmem:s3], [sflag:$0x1] =	stream.indirect_vreg.gather [hbm4b:s6+s2], $0x80, v19, vm0, $0xb8;
	[tilespmem:$0x1C100] =	vst v63  }
0x2a: {  	[tilespmem:$0x10] =	vst v20  }
0x2b: {  	[tilespmem:$0x20] =	vst v4  }
0x2c: {  	[tilespmem:$0x30] =	vst v5  }
0x2d: {  	[tilespmem:$0x40] =	vst v6  }
0x2e: {  	[tilespmem:$0x50] =	vst v7  }
0x2f: {  	[tilespmem:$0x60] =	vst v8  }
0x30: {  	[tilespmem:$0x70] =	vst v9  }
0x31: {  	[tilespmem:$0x80] =	vst v10  }
0x32: {  	[tilespmem:$0x90] =	vst v11  }
0x33: {  	[tilespmem:$0xA0] =	vst v12  }
0x34: {  	[tilespmem:$0xB0] =	vst v13  }
0x35: {  	[tilespmem:$0xC0] =	vst v14  }
0x36: {  	[tilespmem:$0xD0] =	vst v15  }
0x37: {  	[tilespmem:$0xE0] =	vst v16  }
0x38: {  	s0 =	simm.s32 $0xE100;
	[tilespmem:$0xF0] =	vst v17  }
0x39: {  	[tilespmem:s0], [sflag:$0x2] =	stream.indirect_vreg.gather [hbm4b:s1+s2], $0x80, v21, vm0, $0xb8;
	[tilespmem:$0x1C100] =	vst v63  }
0x3a: {  	s3 =	simm.s32 $0xE900  }
0x3b: {  	[tilespmem:s3], [sflag:$0x2] =	stream.indirect_vreg.gather [hbm4b:s4+s2], $0x80, v21, vm0, $0xb8;
	[tilespmem:$0x1C100] =	vst v63  }
0x3c: {  	s31 =	simm.s32 $0xF100  }
0x3d: {  	[tilespmem:s31], [sflag:$0x2] =	stream.indirect_vreg.gather [hbm4b:s5+s2], $0x80, v21, vm0, $0xb8;
	[tilespmem:$0x1C100] =	vst v63  }
0x3e: {  	s31 =	simm.s32 $0xF900  }
0x3f: {  	[tilespmem:s31], [sflag:$0x2] =	stream.indirect_vreg.gather [hbm4b:s6+s2], $0x80, v21, vm0, $0xb8;
	[tilespmem:$0x1C100] =	vst v63  }
0x40: {  	s31 =	simm.s32 $0x10100  }
0x41: {  	[tilespmem:s31], [sflag:$0x2] =	stream.indirect_vreg.gather [hbm4b:s1+s2], $0x80, v22, vm0, $0xb8;
	[tilespmem:$0x1C100] =	vst v63  }
0x42: {  	s31 =	simm.s32 $0x10900  }
0x43: {  	[tilespmem:s31], [sflag:$0x2] =	stream.indirect_vreg.gather [hbm4b:s4+s2], $0x80, v22, vm0, $0xb8;
	[tilespmem:$0x1C100] =	vst v63  }
0x44: {  	s31 =	simm.s32 $0x11100  }
0x45: {  	[tilespmem:s31], [sflag:$0x2] =	stream.indirect_vreg.gather [hbm4b:s5+s2], $0x80, v22, vm0, $0xb8;
	[tilespmem:$0x1C100] =	vst v63  }
0x46: {  	s31 =	simm.s32 $0x11900  }
0x47: {  	[tilespmem:s31], [sflag:$0x2] =	stream.indirect_vreg.gather [hbm4b:s6+s2], $0x80, v22, vm0, $0xb8;
	[tilespmem:$0x1C100] =	vst v63  }
0x48: {  	v23 =	vld [tilespmem:$0x20];
	_ =	sdelay $0x4  }
0x49: {  	v24 =	vshll.u32 v23, $0x3  }
0x4a: {  	v23 =	vand.u32 $0x7, v23;
	v24 =	vand.u32 $0xFFFFFFC0, v24  }
0x4b: {  	v23 =	vor.u32 v23, v24  }
0x4c: {  	v24 =	vperm.xlane v23, v1;
	_ =	sdelay $0x1  }
0x4d: {  	v24 =	vadd.s32 v3, v24;
	_ =	sdelay $0x4  }
0x4e: {  	[tilespmem:s9], [sflag:$0x2] =	stream.indirect_vreg.gather [hbm4b:s1+s2], $0x80, v24, vm0, $0xb8;
	[tilespmem:$0x1C100] =	vst v63  }
0x4f: {  	s3 =	simm.s32 $0x12900;
	v23 =	vperm.xlane v23, v2  }
0x50: {  	[tilespmem:s3], [sflag:$0x2] =	stream.indirect_vreg.gather [hbm4b:s4+s2], $0x80, v24, vm0, $0xb8;
	[tilespmem:$0x1C100] =	vst v63  }
0x51: {  	v23 =	vadd.s32 v3, v23  }
0x52: {  	[tilespmem:s7], [sflag:$0x2] =	stream.indirect_vreg.gather [hbm4b:s5+s2], $0x80, v24, vm0, $0xb8;
	[tilespmem:$0x1C100] =	vst v63  }
0x53: {  	_ = 	snop  }
0x54: {  	[tilespmem:s25], [sflag:$0x2] =	stream.indirect_vreg.gather [hbm4b:s6+s2], $0x80, v24, vm0, $0xb8;
	[tilespmem:$0x1C100] =	vst v63  }
0x55: {  	_ = 	snop  }
0x56: {  	[tilespmem:s10], [sflag:$0x2] =	stream.indirect_vreg.gather [hbm4b:s1+s2], $0x80, v23, vm0, $0xb8;
	[tilespmem:$0x1C100] =	vst v63  }
0x57: {  	_ = 	snop  }
0x58: {  	[tilespmem:s11], [sflag:$0x2] =	stream.indirect_vreg.gather [hbm4b:s4+s2], $0x80, v23, vm0, $0xb8;
	[tilespmem:$0x1C100] =	vst v63  }
0x59: {  	_ = 	snop  }
0x5a: {  	[tilespmem:s12], [sflag:$0x2] =	stream.indirect_vreg.gather [hbm4b:s5+s2], $0x80, v23, vm0, $0xb8;
	[tilespmem:$0x1C100] =	vst v63  }
0x5b: {  	_ = 	snop  }
0x5c: {  	[tilespmem:s13], [sflag:$0x2] =	stream.indirect_vreg.gather [hbm4b:s6+s2], $0x80, v23, vm0, $0xb8;
	[tilespmem:$0x1C100] =	vst v63  }
0x5d: {  	v23 =	vld [tilespmem:$0x30];
	_ =	sdelay $0x4  }
0x5e: {  	v49 =	vshll.u32 v23, $0x3  }
0x5f: {  	v23 =	vand.u32 $0x7, v23;
	v24 =	vand.u32 $0xFFFFFFC0, v49  }
0x60: {  	v23 =	vor.u32 v23, v24  }
0x61: {  	v24 =	vperm.xlane v23, v1;
	_ =	sdelay $0x1  }
0x62: {  	v24 =	vadd.s32 v3, v24;
	_ =	sdelay $0x4  }
0x63: {  	[tilespmem:s14], [sflag:$0x2] =	stream.indirect_vreg.gather [hbm4b:s1+s2], $0x80, v24, vm0, $0xb8;
	[tilespmem:$0x1C100] =	vst v63  }
0x64: {  	v23 =	vperm.xlane v23, v2  }
0x65: {  	[tilespmem:s15], [sflag:$0x2] =	stream.indirect_vreg.gather [hbm4b:s4+s2], $0x80, v24, vm0, $0xb8;
	[tilespmem:$0x1C100] =	vst v63  }
0x66: {  	v23 =	vadd.s32 v3, v23  }
0x67: {  	[tilespmem:s16], [sflag:$0x2] =	stream.indirect_vreg.gather [hbm4b:s5+s2], $0x80, v24, vm0, $0xb8;
	[tilespmem:$0x1C100] =	vst v63  }
0x68: {  	_ = 	snop  }
0x69: {  	[tilespmem:s18], [sflag:$0x2] =	stream.indirect_vreg.gather [hbm4b:s6+s2], $0x80, v24, vm0, $0xb8;
	[tilespmem:$0x1C100] =	vst v63  }
0x6a: {  	_ = 	snop  }
0x6b: {  	[tilespmem:s19], [sflag:$0x2] =	stream.indirect_vreg.gather [hbm4b:s1+s2], $0x80, v23, vm0, $0xb8;
	[tilespmem:$0x1C100] =	vst v63  }
0x6c: {  	_ = 	snop  }
0x6d: {  	[tilespmem:s20], [sflag:$0x2] =	stream.indirect_vreg.gather [hbm4b:s4+s2], $0x80, v23, vm0, $0xb8;
	[tilespmem:$0x1C100] =	vst v63  }
0x6e: {  	_ = 	snop  }
0x6f: {  	[tilespmem:s21], [sflag:$0x2] =	stream.indirect_vreg.gather [hbm4b:s5+s2], $0x80, v23, vm0, $0xb8;
	[tilespmem:$0x1C100] =	vst v63  }
0x70: {  	_ = 	snop  }
0x71: {  	[tilespmem:s22], [sflag:$0x2] =	stream.indirect_vreg.gather [hbm4b:s6+s2], $0x80, v23, vm0, $0xb8;
	[tilespmem:$0x1C100] =	vst v63  }
0x72: {  	v23 =	vld.msk [tilespmem:$0x40], $0xff;
	_ =	sdelay $0x4  }
0x73: {  	v50 =	vshll.u32 v23, $0x3  }
0x74: {  	v23 =	vand.u32 $0x7, v23;
	v24 =	vand.u32 $0xFFFFFFC0, v50  }
0x75: {  	v23 =	vor.u32 v23, v24  }
0x76: {  	v23 =	vperm.xlane v23, v1;
	_ =	sdelay $0x1  }
0x77: {  	v23 =	vadd.s32 v3, v23;
	_ =	sdelay $0x4  }
0x78: {  	[tilespmem:s23], [sflag:$0x2] =	stream.indirect_vreg.gather [hbm4b:s1+s2], $0x80, v23, vm0, $0xb8;
	[tilespmem:$0x1C100] =	vst v63  }
0x79: {  	_ = 	snop  }
0x7a: {  	[tilespmem:s24], [sflag:$0x2] =	stream.indirect_vreg.gather [hbm4b:s4+s2], $0x80, v23, vm0, $0xb8;
	[tilespmem:$0x1C100] =	vst v63  }
0x7b: {  	s31 =	simm.s32 $0x1B100  }
0x7c: {  	[tilespmem:s31], [sflag:$0x2] =	stream.indirect_vreg.gather [hbm4b:s5+s2], $0x80, v23, vm0, $0xb8;
	[tilespmem:$0x1C100] =	vst v63  }
0x7d: {  	s31 =	simm.s32 $0x1B900  }
0x7e: {  	[tilespmem:s31], [sflag:$0x2] =	stream.indirect_vreg.gather [hbm4b:s6+s2], $0x80, v23, vm0, $0xb8;
	[tilespmem:$0x1C100] =	vst v63  }
0x7f: {  	_ =	swait.ge [sflag:s28], $0x4000  }
0x80: {  	[sflag:s28] =	ssyncset.done $0x0  }
0x81: {  	s31 =	rddreg [dreg:$0x8];
	[sflag:s28] =	ssyncadd.s32 $0xFFFFC000  }
0x82: {  	[hbm4b:s31+s2] =	stream.linear.scatter [tilespmem:s17], [sflag:$0x3], $0x4000, $0x38;
	[tilespmem:$0x1C100] =	vst v63  }
0x83: {  	_ =	swait.ge [sflag:s29], $0x4000  }
0x84: {  	[sflag:s29] =	ssyncset.done $0x0  }
0x85: {  	[sflag:s29] =	ssyncadd.s32 $0xFFFFC000  }
0x86: {  	v23 =	vld [tilespmem:$0x48];
	_ =	sdelay $0x4  }
0x87: {  	v51 =	vshll.u32 v23, $0x3  }
0x88: {  	v23 =	vand.u32 $0x7, v23;
	v24 =	vand.u32 $0xFFFFFFC0, v51  }
0x89: {  	v23 =	vor.u32 v23, v24  }
0x8a: {  	v24 =	vperm.xlane v23, v1;
	_ =	sdelay $0x1  }
0x8b: {  	v24 =	vadd.s32 v3, v24;
	_ =	sdelay $0x4  }
0x8c: {  	[tilespmem:s17], [sflag:$0x1] =	stream.indirect_vreg.gather [hbm4b:s1+s2], $0x80, v24, vm0, $0xb8;
	[tilespmem:$0x1C100] =	vst v63  }
0x8d: {  	s31 =	simm.s32 $0x900;
	v23 =	vperm.xlane v23, v2  }
0x8e: {  	[tilespmem:s31], [sflag:$0x1] =	stream.indirect_vreg.gather [hbm4b:s4+s2], $0x80, v24, vm0, $0xb8;
	[tilespmem:$0x1C100] =	vst v63  }
0x8f: {  	v23 =	vadd.s32 v3, v23;
	s31 =	simm.s32 $0x1100  }
0x90: {  	[tilespmem:s31], [sflag:$0x1] =	stream.indirect_vreg.gather [hbm4b:s5+s2], $0x80, v24, vm0, $0xb8;
	[tilespmem:$0x1C100] =	vst v63  }
0x91: {  	s31 =	simm.s32 $0x1900  }
0x92: {  	[tilespmem:s31], [sflag:$0x1] =	stream.indirect_vreg.gather [hbm4b:s6+s2], $0x80, v24, vm0, $0xb8;
	[tilespmem:$0x1C100] =	vst v63  }
0x93: {  	s31 =	simm.s32 $0x2100  }
0x94: {  	[tilespmem:s31], [sflag:$0x1] =	stream.indirect_vreg.gather [hbm4b:s1+s2], $0x80, v23, vm0, $0xb8;
	[tilespmem:$0x1C100] =	vst v63  }
0x95: {  	s31 =	simm.s32 $0x2900  }
0x96: {  	[tilespmem:s31], [sflag:$0x1] =	stream.indirect_vreg.gather [hbm4b:s4+s2], $0x80, v23, vm0, $0xb8;
	[tilespmem:$0x1C100] =	vst v63  }
0x97: {  	s31 =	simm.s32 $0x3100  }
0x98: {  	[tilespmem:s31], [sflag:$0x1] =	stream.indirect_vreg.gather [hbm4b:s5+s2], $0x80, v23, vm0, $0xb8;
	[tilespmem:$0x1C100] =	vst v63  }
0x99: {  	s31 =	simm.s32 $0x3900  }
0x9a: {  	[tilespmem:s31], [sflag:$0x1] =	stream.indirect_vreg.gather [hbm4b:s6+s2], $0x80, v23, vm0, $0xb8;
	[tilespmem:$0x1C100] =	vst v63  }
0x9b: {  	v23 =	vld [tilespmem:$0x58];
	_ =	sdelay $0x4  }
0x9c: {  	v52 =	vshll.u32 v23, $0x3  }
0x9d: {  	v23 =	vand.u32 $0x7, v23;
	v24 =	vand.u32 $0xFFFFFFC0, v52  }
0x9e: {  	v23 =	vor.u32 v23, v24  }
0x9f: {  	v24 =	vperm.xlane v23, v1;
	_ =	sdelay $0x1  }
0xa0: {  	v24 =	vadd.s32 v3, v24;
	_ =	sdelay $0x3  }
0xa1: {  	s31 =	simm.s32 $0x4100  }
0xa2: {  	[tilespmem:s31], [sflag:$0x1] =	stream.indirect_vreg.gather [hbm4b:s1+s2], $0x80, v24, vm0, $0xb8;
	[tilespmem:$0x1C100] =	vst v63  }
0xa3: {  	v23 =	vperm.xlane v23, v2;
	s31 =	simm.s32 $0x4900  }
0xa4: {  	[tilespmem:s31], [sflag:$0x1] =	stream.indirect_vreg.gather [hbm4b:s4+s2], $0x80, v24, vm0, $0xb8;
	[tilespmem:$0x1C100] =	vst v63  }
0xa5: {  	v23 =	vadd.s32 v3, v23;
	s31 =	simm.s32 $0x5100  }
0xa6: {  	[tilespmem:s31], [sflag:$0x1] =	stream.indirect_vreg.gather [hbm4b:s5+s2], $0x80, v24, vm0, $0xb8;
	[tilespmem:$0x1C100] =	vst v63  }
0xa7: {  	s31 =	simm.s32 $0x5900  }
0xa8: {  	[tilespmem:s31], [sflag:$0x1] =	stream.indirect_vreg.gather [hbm4b:s6+s2], $0x80, v24, vm0, $0xb8;
	[tilespmem:$0x1C100] =	vst v63  }
0xa9: {  	s31 =	simm.s32 $0x6100  }
0xaa: {  	[tilespmem:s31], [sflag:$0x1] =	stream.indirect_vreg.gather [hbm4b:s1+s2], $0x80, v23, vm0, $0xb8;
	[tilespmem:$0x1C100] =	vst v63  }
0xab: {  	s31 =	simm.s32 $0x6900  }
0xac: {  	[tilespmem:s31], [sflag:$0x1] =	stream.indirect_vreg.gather [hbm4b:s4+s2], $0x80, v23, vm0, $0xb8;
	[tilespmem:$0x1C100] =	vst v63  }
0xad: {  	s31 =	simm.s32 $0x7100  }
0xae: {  	[tilespmem:s31], [sflag:$0x1] =	stream.indirect_vreg.gather [hbm4b:s5+s2], $0x80, v23, vm0, $0xb8;
	[tilespmem:$0x1C100] =	vst v63  }
0xaf: {  	s31 =	simm.s32 $0x7900  }
0xb0: {  	[tilespmem:s31], [sflag:$0x1] =	stream.indirect_vreg.gather [hbm4b:s6+s2], $0x80, v23, vm0, $0xb8;
	[tilespmem:$0x1C100] =	vst v63  }
0xb1: {  	v23 =	vld [tilespmem:$0x68];
	_ =	sdelay $0x4  }
0xb2: {  	v53 =	vshll.u32 v23, $0x3  }
0xb3: {  	v23 =	vand.u32 $0x7, v23;
	v24 =	vand.u32 $0xFFFFFFC0, v53  }
0xb4: {  	v23 =	vor.u32 v23, v24  }
0xb5: {  	v24 =	vperm.xlane v23, v1;
	_ =	sdelay $0x1  }
0xb6: {  	v24 =	vadd.s32 v3, v24;
	_ =	sdelay $0x3  }
0xb7: {  	s31 =	simm.s32 $0x8100  }
0xb8: {  	[tilespmem:s31], [sflag:$0x1] =	stream.indirect_vreg.gather [hbm4b:s1+s2], $0x80, v24, vm0, $0xb8;
	[tilespmem:$0x1C100] =	vst v63  }
0xb9: {  	v23 =	vperm.xlane v23, v2;
	s31 =	simm.s32 $0x8900  }
0xba: {  	[tilespmem:s31], [sflag:$0x1] =	stream.indirect_vreg.gather [hbm4b:s4+s2], $0x80, v24, vm0, $0xb8;
	[tilespmem:$0x1C100] =	vst v63  }
0xbb: {  	v23 =	vadd.s32 v3, v23;
	s31 =	simm.s32 $0x9100  }
0xbc: {  	[tilespmem:s31], [sflag:$0x1] =	stream.indirect_vreg.gather [hbm4b:s5+s2], $0x80, v24, vm0, $0xb8;
	[tilespmem:$0x1C100] =	vst v63  }
0xbd: {  	s31 =	simm.s32 $0x9900  }
0xbe: {  	[tilespmem:s31], [sflag:$0x1] =	stream.indirect_vreg.gather [hbm4b:s6+s2], $0x80, v24, vm0, $0xb8;
	[tilespmem:$0x1C100] =	vst v63  }
0xbf: {  	s31 =	simm.s32 $0xA100  }
0xc0: {  	[tilespmem:s31], [sflag:$0x1] =	stream.indirect_vreg.gather [hbm4b:s1+s2], $0x80, v23, vm0, $0xb8;
	[tilespmem:$0x1C100] =	vst v63  }
0xc1: {  	s31 =	simm.s32 $0xA900  }
0xc2: {  	[tilespmem:s31], [sflag:$0x1] =	stream.indirect_vreg.gather [hbm4b:s4+s2], $0x80, v23, vm0, $0xb8;
	[tilespmem:$0x1C100] =	vst v63  }
0xc3: {  	s31 =	simm.s32 $0xB100  }
0xc4: {  	[tilespmem:s31], [sflag:$0x1] =	stream.indirect_vreg.gather [hbm4b:s5+s2], $0x80, v23, vm0, $0xb8;
	[tilespmem:$0x1C100] =	vst v63  }
0xc5: {  	s31 =	simm.s32 $0xB900  }
0xc6: {  	[tilespmem:s31], [sflag:$0x1] =	stream.indirect_vreg.gather [hbm4b:s6+s2], $0x80, v23, vm0, $0xb8;
	[tilespmem:$0x1C100] =	vst v63  }
0xc7: {  	v23 =	vld.msk [tilespmem:$0x78], $0xff;
	_ =	sdelay $0x4  }
0xc8: {  	v54 =	vshll.u32 v23, $0x3  }
0xc9: {  	v23 =	vand.u32 $0x7, v23;
	v24 =	vand.u32 $0xFFFFFFC0, v54  }
0xca: {  	v23 =	vor.u32 v23, v24  }
0xcb: {  	v23 =	vperm.xlane v23, v1;
	_ =	sdelay $0x1  }
0xcc: {  	v23 =	vadd.s32 v3, v23;
	_ =	sdelay $0x3  }
0xcd: {  	s31 =	simm.s32 $0xC100  }
0xce: {  	[tilespmem:s31], [sflag:$0x1] =	stream.indirect_vreg.gather [hbm4b:s1+s2], $0x80, v23, vm0, $0xb8;
	[tilespmem:$0x1C100] =	vst v63  }
0xcf: {  	s31 =	simm.s32 $0xC900  }
0xd0: {  	[tilespmem:s31], [sflag:$0x1] =	stream.indirect_vreg.gather [hbm4b:s4+s2], $0x80, v23, vm0, $0xb8;
	[tilespmem:$0x1C100] =	vst v63  }
0xd1: {  	s31 =	simm.s32 $0xD100  }
0xd2: {  	[tilespmem:s31], [sflag:$0x1] =	stream.indirect_vreg.gather [hbm4b:s5+s2], $0x80, v23, vm0, $0xb8;
	[tilespmem:$0x1C100] =	vst v63  }
0xd3: {  	s31 =	simm.s32 $0xD900  }
0xd4: {  	[tilespmem:s31], [sflag:$0x1] =	stream.indirect_vreg.gather [hbm4b:s6+s2], $0x80, v23, vm0, $0xb8;
	[tilespmem:$0x1C100] =	vst v63  }
0xd5: {  	_ =	swait.ge [sflag:s26], $0xE000  }
0xd6: {  	[sflag:s26] =	ssyncset.done $0x0  }
0xd7: {  	s31 =	rddreg [dreg:$0x3];
	[sflag:s26] =	ssyncadd.s32 $0xFFFF2000  }
0xd8: {  	[hbm4b:s31+s2] =	stream.linear.scatter [tilespmem:s0], [sflag:$0x4], $0xE000, $0x38;
	[tilespmem:$0x1C100] =	vst v63  }
0xd9: {  	_ =	swait.ge [sflag:s30], $0xE000  }
0xda: {  	[sflag:s30] =	ssyncset.done $0x0  }
0xdb: {  	[sflag:s30] =	ssyncadd.s32 $0xFFFF2000  }
0xdc: {  	v23 =	vld [tilespmem:$0x80];
	_ =	sdelay $0x4  }
0xdd: {  	v55 =	vshll.u32 v23, $0x3  }
0xde: {  	v23 =	vand.u32 $0x7, v23;
	v24 =	vand.u32 $0xFFFFFFC0, v55  }
0xdf: {  	v23 =	vor.u32 v23, v24  }
0xe0: {  	v24 =	vperm.xlane v23, v1;
	_ =	sdelay $0x1  }
0xe1: {  	v24 =	vadd.s32 v3, v24;
	_ =	sdelay $0x4  }
0xe2: {  	[tilespmem:s0], [sflag:$0x2] =	stream.indirect_vreg.gather [hbm4b:s1+s2], $0x80, v24, vm0, $0xb8;
	[tilespmem:$0x1C100] =	vst v63  }
0xe3: {  	s31 =	simm.s32 $0xE900;
	v23 =	vperm.xlane v23, v2  }
0xe4: {  	[tilespmem:s31], [sflag:$0x2] =	stream.indirect_vreg.gather [hbm4b:s4+s2], $0x80, v24, vm0, $0xb8;
	[tilespmem:$0x1C100] =	vst v63  }
0xe5: {  	v23 =	vadd.s32 v3, v23;
	s31 =	simm.s32 $0xF100  }
0xe6: {  	[tilespmem:s31], [sflag:$0x2] =	stream.indirect_vreg.gather [hbm4b:s5+s2], $0x80, v24, vm0, $0xb8;
	[tilespmem:$0x1C100] =	vst v63  }
0xe7: {  	s31 =	simm.s32 $0xF900  }
0xe8: {  	[tilespmem:s31], [sflag:$0x2] =	stream.indirect_vreg.gather [hbm4b:s6+s2], $0x80, v24, vm0, $0xb8;
	[tilespmem:$0x1C100] =	vst v63  }
0xe9: {  	s31 =	simm.s32 $0x10100  }
0xea: {  	[tilespmem:s31], [sflag:$0x2] =	stream.indirect_vreg.gather [hbm4b:s1+s2], $0x80, v23, vm0, $0xb8;
	[tilespmem:$0x1C100] =	vst v63  }
0xeb: {  	s31 =	simm.s32 $0x10900  }
0xec: {  	[tilespmem:s31], [sflag:$0x2] =	stream.indirect_vreg.gather [hbm4b:s4+s2], $0x80, v23, vm0, $0xb8;
	[tilespmem:$0x1C100] =	vst v63  }
0xed: {  	s31 =	simm.s32 $0x11100  }
0xee: {  	[tilespmem:s31], [sflag:$0x2] =	stream.indirect_vreg.gather [hbm4b:s5+s2], $0x80, v23, vm0, $0xb8;
	[tilespmem:$0x1C100] =	vst v63  }
0xef: {  	s31 =	simm.s32 $0x11900  }
0xf0: {  	[tilespmem:s31], [sflag:$0x2] =	stream.indirect_vreg.gather [hbm4b:s6+s2], $0x80, v23, vm0, $0xb8;
	[tilespmem:$0x1C100] =	vst v63  }
0xf1: {  	v23 =	vld [tilespmem:$0x90];
	_ =	sdelay $0x4  }
0xf2: {  	v56 =	vshll.u32 v23, $0x3  }
0xf3: {  	v23 =	vand.u32 $0x7, v23;
	v24 =	vand.u32 $0xFFFFFFC0, v56  }
0xf4: {  	v23 =	vor.u32 v23, v24  }
0xf5: {  	v24 =	vperm.xlane v23, v1;
	_ =	sdelay $0x1  }
0xf6: {  	v24 =	vadd.s32 v3, v24;
	_ =	sdelay $0x4  }
0xf7: {  	[tilespmem:s9], [sflag:$0x2] =	stream.indirect_vreg.gather [hbm4b:s1+s2], $0x80, v24, vm0, $0xb8;
	[tilespmem:$0x1C100] =	vst v63  }
0xf8: {  	v23 =	vperm.xlane v23, v2  }
0xf9: {  	[tilespmem:s3], [sflag:$0x2] =	stream.indirect_vreg.gather [hbm4b:s4+s2], $0x80, v24, vm0, $0xb8;
	[tilespmem:$0x1C100] =	vst v63  }
0xfa: {  	v23 =	vadd.s32 v3, v23  }
0xfb: {  	[tilespmem:s7], [sflag:$0x2] =	stream.indirect_vreg.gather [hbm4b:s5+s2], $0x80, v24, vm0, $0xb8;
	[tilespmem:$0x1C100] =	vst v63  }
0xfc: {  	_ = 	snop  }
0xfd: {  	[tilespmem:s25], [sflag:$0x2] =	stream.indirect_vreg.gather [hbm4b:s6+s2], $0x80, v24, vm0, $0xb8;
	[tilespmem:$0x1C100] =	vst v63  }
0xfe: {  	_ = 	snop  }
0xff: {  	[tilespmem:s10], [sflag:$0x2] =	stream.indirect_vreg.gather [hbm4b:s1+s2], $0x80, v23, vm0, $0xb8;
	[tilespmem:$0x1C100] =	vst v63  }
0x100: {  	_ = 	snop  }
0x101: {  	[tilespmem:s11], [sflag:$0x2] =	stream.indirect_vreg.gather [hbm4b:s4+s2], $0x80, v23, vm0, $0xb8;
	[tilespmem:$0x1C100] =	vst v63  }
0x102: {  	_ = 	snop  }
0x103: {  	[tilespmem:s12], [sflag:$0x2] =	stream.indirect_vreg.gather [hbm4b:s5+s2], $0x80, v23, vm0, $0xb8;
	[tilespmem:$0x1C100] =	vst v63  }
0x104: {  	_ = 	snop  }
0x105: {  	[tilespmem:s13], [sflag:$0x2] =	stream.indirect_vreg.gather [hbm4b:s6+s2], $0x80, v23, vm0, $0xb8;
	[tilespmem:$0x1C100] =	vst v63  }
0x106: {  	v23 =	vld [tilespmem:$0xA0];
	_ =	sdelay $0x4  }
0x107: {  	v57 =	vshll.u32 v23, $0x3  }
0x108: {  	v23 =	vand.u32 $0x7, v23;
	v24 =	vand.u32 $0xFFFFFFC0, v57  }
0x109: {  	v23 =	vor.u32 v23, v24  }
0x10a: {  	v24 =	vperm.xlane v23, v1;
	_ =	sdelay $0x1  }
0x10b: {  	v24 =	vadd.s32 v3, v24;
	_ =	sdelay $0x4  }
0x10c: {  	[tilespmem:s14], [sflag:$0x2] =	stream.indirect_vreg.gather [hbm4b:s1+s2], $0x80, v24, vm0, $0xb8;
	[tilespmem:$0x1C100] =	vst v63  }
0x10d: {  	v23 =	vperm.xlane v23, v2  }
0x10e: {  	[tilespmem:s15], [sflag:$0x2] =	stream.indirect_vreg.gather [hbm4b:s4+s2], $0x80, v24, vm0, $0xb8;
	[tilespmem:$0x1C100] =	vst v63  }
0x10f: {  	v23 =	vadd.s32 v3, v23  }
0x110: {  	[tilespmem:s16], [sflag:$0x2] =	stream.indirect_vreg.gather [hbm4b:s5+s2], $0x80, v24, vm0, $0xb8;
	[tilespmem:$0x1C100] =	vst v63  }
0x111: {  	_ = 	snop  }
0x112: {  	[tilespmem:s18], [sflag:$0x2] =	stream.indirect_vreg.gather [hbm4b:s6+s2], $0x80, v24, vm0, $0xb8;
	[tilespmem:$0x1C100] =	vst v63  }
0x113: {  	_ = 	snop  }
0x114: {  	[tilespmem:s19], [sflag:$0x2] =	stream.indirect_vreg.gather [hbm4b:s1+s2], $0x80, v23, vm0, $0xb8;
	[tilespmem:$0x1C100] =	vst v63  }
0x115: {  	_ = 	snop  }
0x116: {  	[tilespmem:s20], [sflag:$0x2] =	stream.indirect_vreg.gather [hbm4b:s4+s2], $0x80, v23, vm0, $0xb8;
	[tilespmem:$0x1C100] =	vst v63  }
0x117: {  	_ = 	snop  }
0x118: {  	[tilespmem:s21], [sflag:$0x2] =	stream.indirect_vreg.gather [hbm4b:s5+s2], $0x80, v23, vm0, $0xb8;
	[tilespmem:$0x1C100] =	vst v63  }
0x119: {  	_ = 	snop  }
0x11a: {  	[tilespmem:s22], [sflag:$0x2] =	stream.indirect_vreg.gather [hbm4b:s6+s2], $0x80, v23, vm0, $0xb8;
	[tilespmem:$0x1C100] =	vst v63  }
0x11b: {  	v23 =	vld.msk [tilespmem:$0xB0], $0xff;
	_ =	sdelay $0x4  }
0x11c: {  	v58 =	vshll.u32 v23, $0x3  }
0x11d: {  	v23 =	vand.u32 $0x7, v23;
	v24 =	vand.u32 $0xFFFFFFC0, v58  }
0x11e: {  	v23 =	vor.u32 v23, v24  }
0x11f: {  	v23 =	vperm.xlane v23, v1;
	_ =	sdelay $0x1  }
0x120: {  	v23 =	vadd.s32 v3, v23;
	_ =	sdelay $0x4  }
0x121: {  	[tilespmem:s23], [sflag:$0x2] =	stream.indirect_vreg.gather [hbm4b:s1+s2], $0x80, v23, vm0, $0xb8;
	[tilespmem:$0x1C100] =	vst v63  }
0x122: {  	_ = 	snop  }
0x123: {  	[tilespmem:s24], [sflag:$0x2] =	stream.indirect_vreg.gather [hbm4b:s4+s2], $0x80, v23, vm0, $0xb8;
	[tilespmem:$0x1C100] =	vst v63  }
0x124: {  	s31 =	simm.s32 $0x1B100  }
0x125: {  	[tilespmem:s31], [sflag:$0x2] =	stream.indirect_vreg.gather [hbm4b:s5+s2], $0x80, v23, vm0, $0xb8;
	[tilespmem:$0x1C100] =	vst v63  }
0x126: {  	s31 =	simm.s32 $0x1B900  }
0x127: {  	[tilespmem:s31], [sflag:$0x2] =	stream.indirect_vreg.gather [hbm4b:s6+s2], $0x80, v23, vm0, $0xb8;
	[tilespmem:$0x1C100] =	vst v63  }
0x128: {  	_ =	swait.ge [sflag:s28], $0xE000  }
0x129: {  	[sflag:s28] =	ssyncset.done $0x0  }
0x12a: {  	s3 =	rddreg [dreg:$0x4];
	[sflag:s28] =	ssyncadd.s32 $0xFFFF2000  }
0x12b: {  	[hbm4b:s3+s2] =	stream.linear.scatter [tilespmem:s17], [sflag:$0x3], $0xE000, $0x38;
	[tilespmem:$0x1C100] =	vst v63  }
0x12c: {  	_ =	swait.ge [sflag:s29], $0xE000  }
0x12d: {  	[sflag:s29] =	ssyncset.done $0x0  }
0x12e: {  	[sflag:s29] =	ssyncadd.s32 $0xFFFF2000  }
0x12f: {  	v23 =	vld [tilespmem:$0xB8];
	_ =	sdelay $0x4  }
0x130: {  	v59 =	vshll.u32 v23, $0x3  }
0x131: {  	v23 =	vand.u32 $0x7, v23;
	v24 =	vand.u32 $0xFFFFFFC0, v59  }
0x132: {  	v23 =	vor.u32 v23, v24  }
0x133: {  	v24 =	vperm.xlane v23, v1;
	_ =	sdelay $0x1  }
0x134: {  	v24 =	vadd.s32 v3, v24;
	_ =	sdelay $0x4  }
0x135: {  	[tilespmem:s17], [sflag:$0x1] =	stream.indirect_vreg.gather [hbm4b:s1+s2], $0x80, v24, vm0, $0xb8;
	[tilespmem:$0x1C100] =	vst v63  }
0x136: {  	s31 =	simm.s32 $0x900;
	v23 =	vperm.xlane v23, v2  }
0x137: {  	[tilespmem:s31], [sflag:$0x1] =	stream.indirect_vreg.gather [hbm4b:s4+s2], $0x80, v24, vm0, $0xb8;
	[tilespmem:$0x1C100] =	vst v63  }
0x138: {  	v23 =	vadd.s32 v3, v23;
	s31 =	simm.s32 $0x1100  }
0x139: {  	[tilespmem:s31], [sflag:$0x1] =	stream.indirect_vreg.gather [hbm4b:s5+s2], $0x80, v24, vm0, $0xb8;
	[tilespmem:$0x1C100] =	vst v63  }
0x13a: {  	s31 =	simm.s32 $0x1900  }
0x13b: {  	[tilespmem:s31], [sflag:$0x1] =	stream.indirect_vreg.gather [hbm4b:s6+s2], $0x80, v24, vm0, $0xb8;
	[tilespmem:$0x1C100] =	vst v63  }
0x13c: {  	s31 =	simm.s32 $0x2100  }
0x13d: {  	[tilespmem:s31], [sflag:$0x1] =	stream.indirect_vreg.gather [hbm4b:s1+s2], $0x80, v23, vm0, $0xb8;
	[tilespmem:$0x1C100] =	vst v63  }
0x13e: {  	s31 =	simm.s32 $0x2900  }
0x13f: {  	[tilespmem:s31], [sflag:$0x1] =	stream.indirect_vreg.gather [hbm4b:s4+s2], $0x80, v23, vm0, $0xb8;
	[tilespmem:$0x1C100] =	vst v63  }
0x140: {  	s31 =	simm.s32 $0x3100  }
0x141: {  	[tilespmem:s31], [sflag:$0x1] =	stream.indirect_vreg.gather [hbm4b:s5+s2], $0x80, v23, vm0, $0xb8;
	[tilespmem:$0x1C100] =	vst v63  }
0x142: {  	s31 =	simm.s32 $0x3900  }
0x143: {  	[tilespmem:s31], [sflag:$0x1] =	stream.indirect_vreg.gather [hbm4b:s6+s2], $0x80, v23, vm0, $0xb8;
	[tilespmem:$0x1C100] =	vst v63  }
0x144: {  	v23 =	vld [tilespmem:$0xC8];
	_ =	sdelay $0x4  }
0x145: {  	v60 =	vshll.u32 v23, $0x3  }
0x146: {  	v23 =	vand.u32 $0x7, v23;
	v24 =	vand.u32 $0xFFFFFFC0, v60  }
0x147: {  	v23 =	vor.u32 v23, v24  }
0x148: {  	v24 =	vperm.xlane v23, v1;
	_ =	sdelay $0x1  }
0x149: {  	v24 =	vadd.s32 v3, v24;
	_ =	sdelay $0x3  }
0x14a: {  	s31 =	simm.s32 $0x4100  }
0x14b: {  	[tilespmem:s31], [sflag:$0x1] =	stream.indirect_vreg.gather [hbm4b:s1+s2], $0x80, v24, vm0, $0xb8;
	[tilespmem:$0x1C100] =	vst v63  }
0x14c: {  	v23 =	vperm.xlane v23, v2;
	s31 =	simm.s32 $0x4900  }
0x14d: {  	[tilespmem:s31], [sflag:$0x1] =	stream.indirect_vreg.gather [hbm4b:s4+s2], $0x80, v24, vm0, $0xb8;
	[tilespmem:$0x1C100] =	vst v63  }
0x14e: {  	v23 =	vadd.s32 v3, v23;
	s31 =	simm.s32 $0x5100  }
0x14f: {  	[tilespmem:s31], [sflag:$0x1] =	stream.indirect_vreg.gather [hbm4b:s5+s2], $0x80, v24, vm0, $0xb8;
	[tilespmem:$0x1C100] =	vst v63  }
0x150: {  	s31 =	simm.s32 $0x5900  }
0x151: {  	[tilespmem:s31], [sflag:$0x1] =	stream.indirect_vreg.gather [hbm4b:s6+s2], $0x80, v24, vm0, $0xb8;
	[tilespmem:$0x1C100] =	vst v63  }
0x152: {  	s31 =	simm.s32 $0x6100  }
0x153: {  	[tilespmem:s31], [sflag:$0x1] =	stream.indirect_vreg.gather [hbm4b:s1+s2], $0x80, v23, vm0, $0xb8;
	[tilespmem:$0x1C100] =	vst v63  }
0x154: {  	s31 =	simm.s32 $0x6900  }
0x155: {  	[tilespmem:s31], [sflag:$0x1] =	stream.indirect_vreg.gather [hbm4b:s4+s2], $0x80, v23, vm0, $0xb8;
	[tilespmem:$0x1C100] =	vst v63  }
0x156: {  	s31 =	simm.s32 $0x7100  }
0x157: {  	[tilespmem:s31], [sflag:$0x1] =	stream.indirect_vreg.gather [hbm4b:s5+s2], $0x80, v23, vm0, $0xb8;
	[tilespmem:$0x1C100] =	vst v63  }
0x158: {  	s31 =	simm.s32 $0x7900  }
0x159: {  	[tilespmem:s31], [sflag:$0x1] =	stream.indirect_vreg.gather [hbm4b:s6+s2], $0x80, v23, vm0, $0xb8;
	[tilespmem:$0x1C100] =	vst v63  }
0x15a: {  	v23 =	vld [tilespmem:$0xD8];
	_ =	sdelay $0x4  }
0x15b: {  	v61 =	vshll.u32 v23, $0x3  }
0x15c: {  	v23 =	vand.u32 $0x7, v23;
	v24 =	vand.u32 $0xFFFFFFC0, v61  }
0x15d: {  	v23 =	vor.u32 v23, v24  }
0x15e: {  	v24 =	vperm.xlane v23, v1;
	_ =	sdelay $0x1  }
0x15f: {  	v24 =	vadd.s32 v3, v24;
	_ =	sdelay $0x3  }
0x160: {  	s31 =	simm.s32 $0x8100  }
0x161: {  	[tilespmem:s31], [sflag:$0x1] =	stream.indirect_vreg.gather [hbm4b:s1+s2], $0x80, v24, vm0, $0xb8;
	[tilespmem:$0x1C100] =	vst v63  }
0x162: {  	v23 =	vperm.xlane v23, v2;
	s31 =	simm.s32 $0x8900  }
0x163: {  	[tilespmem:s31], [sflag:$0x1] =	stream.indirect_vreg.gather [hbm4b:s4+s2], $0x80, v24, vm0, $0xb8;
	[tilespmem:$0x1C100] =	vst v63  }
0x164: {  	v23 =	vadd.s32 v3, v23;
	s31 =	simm.s32 $0x9100  }
0x165: {  	[tilespmem:s31], [sflag:$0x1] =	stream.indirect_vreg.gather [hbm4b:s5+s2], $0x80, v24, vm0, $0xb8;
	[tilespmem:$0x1C100] =	vst v63  }
0x166: {  	s31 =	simm.s32 $0x9900  }
0x167: {  	[tilespmem:s31], [sflag:$0x1] =	stream.indirect_vreg.gather [hbm4b:s6+s2], $0x80, v24, vm0, $0xb8;
	[tilespmem:$0x1C100] =	vst v63  }
0x168: {  	s31 =	simm.s32 $0xA100  }
0x169: {  	[tilespmem:s31], [sflag:$0x1] =	stream.indirect_vreg.gather [hbm4b:s1+s2], $0x80, v23, vm0, $0xb8;
	[tilespmem:$0x1C100] =	vst v63  }
0x16a: {  	s31 =	simm.s32 $0xA900  }
0x16b: {  	[tilespmem:s31], [sflag:$0x1] =	stream.indirect_vreg.gather [hbm4b:s4+s2], $0x80, v23, vm0, $0xb8;
	[tilespmem:$0x1C100] =	vst v63  }
0x16c: {  	s31 =	simm.s32 $0xB100  }
0x16d: {  	[tilespmem:s31], [sflag:$0x1] =	stream.indirect_vreg.gather [hbm4b:s5+s2], $0x80, v23, vm0, $0xb8;
	[tilespmem:$0x1C100] =	vst v63  }
0x16e: {  	s31 =	simm.s32 $0xB900  }
0x16f: {  	[tilespmem:s31], [sflag:$0x1] =	stream.indirect_vreg.gather [hbm4b:s6+s2], $0x80, v23, vm0, $0xb8;
	[tilespmem:$0x1C100] =	vst v63  }
0x170: {  	v23 =	vld.msk [tilespmem:$0xE8], $0xff;
	_ =	sdelay $0x4  }
0x171: {  	v62 =	vshll.u32 v23, $0x3  }
0x172: {  	v23 =	vand.u32 $0x7, v23;
	v24 =	vand.u32 $0xFFFFFFC0, v62  }
0x173: {  	v23 =	vor.u32 v23, v24  }
0x174: {  	v23 =	vperm.xlane v23, v1;
	_ =	sdelay $0x1  }
0x175: {  	v23 =	vadd.s32 v3, v23;
	_ =	sdelay $0x3  }
0x176: {  	s31 =	simm.s32 $0xC100  }
0x177: {  	[tilespmem:s31], [sflag:$0x1] =	stream.indirect_vreg.gather [hbm4b:s1+s2], $0x80, v23, vm0, $0xb8;
	[tilespmem:$0x1C100] =	vst v63  }
0x178: {  	s31 =	simm.s32 $0xC900  }
0x179: {  	[tilespmem:s31], [sflag:$0x1] =	stream.indirect_vreg.gather [hbm4b:s4+s2], $0x80, v23, vm0, $0xb8;
	[tilespmem:$0x1C100] =	vst v63  }
0x17a: {  	s31 =	simm.s32 $0xD100  }
0x17b: {  	[tilespmem:s31], [sflag:$0x1] =	stream.indirect_vreg.gather [hbm4b:s5+s2], $0x80, v23, vm0, $0xb8;
	[tilespmem:$0x1C100] =	vst v63  }
0x17c: {  	s31 =	simm.s32 $0xD900  }
0x17d: {  	[tilespmem:s31], [sflag:$0x1] =	stream.indirect_vreg.gather [hbm4b:s6+s2], $0x80, v23, vm0, $0xb8;
	[tilespmem:$0x1C100] =	vst v63  }
0x17e: {  	_ =	swait.ge [sflag:s26], $0xE000  }
0x17f: {  	[sflag:s26] =	ssyncset.done $0x0  }
0x180: {  	s3 =	rddreg [dreg:$0x5];
	[sflag:s26] =	ssyncadd.s32 $0xFFFF2000  }
0x181: {  	[hbm4b:s3+s2] =	stream.linear.scatter [tilespmem:s0], [sflag:$0x4], $0xE000, $0x38;
	[tilespmem:$0x1C100] =	vst v63  }
0x182: {  	_ =	swait.ge [sflag:s30], $0xE000  }
0x183: {  	[sflag:s30] =	ssyncset.done $0x0  }
0x184: {  	[sflag:s30] =	ssyncadd.s32 $0xFFFF2000  }
0x185: {  	v23 =	vld [tilespmem:$0xF0];
	_ =	sdelay $0x4  }
0x186: {  	v63 =	vshll.u32 v23, $0x3  }
0x187: {  	v23 =	vand.u32 $0x7, v23;
	v24 =	vand.u32 $0xFFFFFFC0, v63  }
0x188: {  	v23 =	vor.u32 v23, v24  }
0x189: {  	v24 =	vperm.xlane v23, v1;
	_ =	sdelay $0x1  }
0x18a: {  	v24 =	vadd.s32 v3, v24;
	_ =	sdelay $0x4  }
0x18b: {  	[tilespmem:s0], [sflag:$0x2] =	stream.indirect_vreg.gather [hbm4b:s1+s2], $0x80, v24, vm0, $0xb8;
	[tilespmem:$0x1C100] =	vst v63  }
0x18c: {  	s31 =	simm.s32 $0xE900;
	v23 =	vperm.xlane v23, v2  }
0x18d: {  	[tilespmem:s31], [sflag:$0x2] =	stream.indirect_vreg.gather [hbm4b:s4+s2], $0x80, v24, vm0, $0xb8;
	[tilespmem:$0x1C100] =	vst v63  }
0x18e: {  	v23 =	vadd.s32 v3, v23;
	s31 =	simm.s32 $0xF100  }
0x18f: {  	[tilespmem:s31], [sflag:$0x2] =	stream.indirect_vreg.gather [hbm4b:s5+s2], $0x80, v24, vm0, $0xb8;
	[tilespmem:$0x1C100] =	vst v63  }
0x190: {  	s31 =	simm.s32 $0xF900  }
0x191: {  	[tilespmem:s31], [sflag:$0x2] =	stream.indirect_vreg.gather [hbm4b:s6+s2], $0x80, v24, vm0, $0xb8;
	[tilespmem:$0x1C100] =	vst v63  }
0x192: {  	s31 =	simm.s32 $0x10100  }
0x193: {  	[tilespmem:s31], [sflag:$0x2] =	stream.indirect_vreg.gather [hbm4b:s1+s2], $0x80, v23, vm0, $0xb8;
	[tilespmem:$0x1C100] =	vst v63  }
0x194: {  	s31 =	simm.s32 $0x10900  }
0x195: {  	[tilespmem:s31], [sflag:$0x2] =	stream.indirect_vreg.gather [hbm4b:s4+s2], $0x80, v23, vm0, $0xb8;
	[tilespmem:$0x1C100] =	vst v63  }
0x196: {  	s31 =	simm.s32 $0x11100  }
0x197: {  	[tilespmem:s31], [sflag:$0x2] =	stream.indirect_vreg.gather [hbm4b:s5+s2], $0x80, v23, vm0, $0xb8;
	[tilespmem:$0x1C100] =	vst v63  }
0x198: {  	s31 =	simm.s32 $0x11900  }
0x199: {  	[tilespmem:s31], [sflag:$0x2] =	stream.indirect_vreg.gather [hbm4b:s6+s2], $0x80, v23, vm0, $0xb8;
	[tilespmem:$0x1C100] =	vst v63  }
0x19a: {  	_ =	swait.ge [sflag:s28], $0xE000  }
0x19b: {  	[sflag:s28] =	ssyncset.done $0x0  }
0x19c: {  	s3 =	rddreg [dreg:$0x6];
	[sflag:s28] =	ssyncadd.s32 $0xFFFF2000  }
0x19d: {  	[hbm4b:s3+s2] =	stream.linear.scatter [tilespmem:s17], [sflag:$0x3], $0xE000, $0x38;
	[tilespmem:$0x1C100] =	vst v63  }
0x19e: {  	_ =	swait.ge [sflag:s26], $0x4000  }
0x19f: {  	[sflag:s26] =	ssyncset.done $0x0  }
0x1a0: {  	s3 =	rddreg [dreg:$0x7];
	[sflag:s26] =	ssyncadd.s32 $0xFFFFC000  }
0x1a1: {  	[hbm4b:s3+s2] =	stream.linear.scatter [tilespmem:s0], [sflag:$0x4], $0x4000, $0x38;
	[tilespmem:$0x1C100] =	vst v63  }
0x1a2: {  	p0 =	sne.s32 s8, $0x1;
	_ =	swait.ge [sflag:s29], $0xE000  }
.Ltmp0:
0x1a3: {  	[sflag:s29] =	ssyncset.done $0x0;
	(pc) =	sbr.rel @p0 .LBB2_1-.Ltmp0, $4  }
0x1a4: {  	[sflag:s29] =	ssyncadd.s32 $0xFFFF2000  }
0x1a5: {  	_ =	swait.ge [sflag:s30], $0x4000  }
0x1a6: {  	[sflag:s30] =	ssyncset.done $0x0  }
0x1a7: {  	s8 =	sadd.s32 $0xFFFFFFFF, s8;
	[sflag:s30] =	ssyncadd.s32 $0xFFFFC000  }
0x1a8: {  	_ =	sfence.sel $0x180000  }
0x1a9: {  	[bflag:$0x0] =	sbarrier.arrive $0xFFFF  }
0x1aa: {  	_ =	strace $0x90000047  }
0x1ab: {  	s0 =	stileid.u32;
	[bflag:$0x2] =	sbarrier.arrive $0xFFFF  }
0x1ac: {  	p0 =	sne.s32 s0, $0x0;
	s0 =	rddreg [dreg:$0x2]  }
0x1ad: {  	s0 =	sadd.s32 @!p0 $0x100000, s0  }
0x1ae: {  	[sflag:s0] =	ssyncadd.tile.s32 @!p0 $0x1;
	_ =	shalt  }
.Lfunc_end2:
_tile_overlayer_lowered:
.L_overlay_start_2:
0x1af: {  	(tag) =	ssettag $0x2  }
0x1b0: {  	s0 =	rddreg [dreg:$0x0];
	s2 =	stileid.u32  }
0x1b1: {  	s1 =	rddreg [dreg:$0x1];
	p0 =	sne.s32 s2, $0x0  }
0x1b2: {  	s3 =	rddreg [dreg:$0x2];
	[bflag:$0x3] =	sbarrier.arrive $0xFFFF;
	s2 =	simm.s32 @!p0 $0x1C05  }
0x1b3: {  	[timem:s3], [sflag:s2] =	dma.local @!p0 [hbm:s0], s1  }
0x1b4: {  	s0 =	simm.s32 @!p0 $0x5  }
0x1b5: {  	_ =	swait.ge @!p0 [sflag:s0], s1  }
0x1b6: {  	s1 =	ssub.s32 @!p0 $0x0, s1;
	[sflag:s0] =	ssyncset.done @!p0 $0x0  }
0x1b7: {  	[sflag:s0] =	ssyncadd.s32 @!p0 s1  }
0x1b8: {  	[bflag:$0x3] =	sbarrier.arrive $0xFFFF  }
0x1b9: {  	_ =	shalt  }

</sc_bundles>
